<compile_context>
chip_gen: v7x
topology: tpu7x:2x2x1
jax: 0.10.2.dev20260603
libtpu: 0.0.44.dev20260713+nightly
codegen_flags: <defaults>
</compile_context>

<pallas_src>
import functools

import jax
import jax.numpy as jnp
from jax import lax
from jax.experimental import pallas as pl
from jax.experimental.pallas import tpu as pltpu
from jax.experimental.pallas import tpu_sc as plsc

N = 16384
D = 64

_NC = 2
_NS = 16
_NW = _NC * _NS
_RPW = N // _NW
_CHUNK = 64
_NCH = _RPW // _CHUNK

_mesh = plsc.VectorSubcoreMesh(core_axis_name="c", subcore_axis_name="s")


@functools.partial(
    pl.kernel,
    mesh=_mesh,
    compiler_params=pltpu.CompilerParams(needs_layout_passes=False),
    out_type=jax.ShapeDtypeStruct((N,), jnp.float32),
    scratch_types=[
        pltpu.VMEM((_RPW,), jnp.int32),
        pltpu.VMEM((_RPW,), jnp.int32),
        pltpu.VMEM((_RPW,), jnp.int32),
        pltpu.VMEM((D, _RPW), jnp.float32),
        pltpu.VMEM((D * 16,), jnp.float32),
        pltpu.VMEM((_RPW,), jnp.float32),
        pltpu.VMEM((_RPW,), jnp.float32),
        pltpu.VMEM((_RPW,), jnp.float32),
        pltpu.VMEM((1024,), jnp.float32),
        pltpu.SemaphoreType.DMA,
        pltpu.SemaphoreType.DMA,
        pltpu.SemaphoreType.DMA,
    ],
)
def _sc_fused(xt_hbm, pro_hbm, celeb_hbm, season_hbm, beta_hbm, u_hbm, v_hbm,
              w_hbm, out_hbm, idu, idv, ids, xcol, bbv, acc, gu, gv, wtab,
              sem_i, sem_x1, sem_g):
    wid = lax.axis_index("s") * _NC + lax.axis_index("c")
    base = wid * _RPW

    stage = [
        pltpu.async_copy(pro_hbm.at[pl.ds(base, _RPW)], idu, sem_i),
        pltpu.async_copy(celeb_hbm.at[pl.ds(base, _RPW)], idv, sem_i),
        pltpu.async_copy(season_hbm.at[pl.ds(base, _RPW)], ids, sem_i),
        pltpu.async_copy(beta_hbm, bbv, sem_i),
        pltpu.async_copy(w_hbm, wtab.at[pl.ds(0, 1000)], sem_i),
    ]
    def _xcp(h, sem):
        return pltpu.async_copy(
            xt_hbm.at[pl.ds(h * (D // 2), D // 2), pl.ds(base, _RPW)],
            xcol.at[pl.ds(h * (D // 2), D // 2), :], sem)

    xcp1 = _xcp(0, sem_x1)
    for c in stage:
        c.wait()
    xcp2 = _xcp(1, sem_i)
    xcps = [xcp1, xcp2]

    def fire_body(j, _):
        sl = pl.ds(j * _CHUNK, _CHUNK)
        pltpu.async_copy(u_hbm.at[idu.at[sl]], gu.at[sl], sem_g)
        pltpu.async_copy(v_hbm.at[idv.at[sl]], gv.at[sl], sem_g)
        return _

    lax.fori_loop(0, _NCH, fire_body, 0)

    for h in range(2):
        xcps[h].wait()

        def chunk_body(c, _, h=h):
            r1 = pl.ds(c * 32, 16)
            r2 = pl.ds(c * 32 + 16, 16)
            d0 = h * (D // 2)
            if h:
                a1 = acc[r1]
                a2 = acc[r2]
            else:
                b = bbv[pl.ds(0, 16)]
                a1 = xcol[0, r1] * b
                a2 = xcol[0, r2] * b
                d0 = 1
            for d in range(d0, (h + 1) * (D // 2)):
                b = bbv[pl.ds(d * 16, 16)]
                a1 = a1 + xcol[d, r1] * b
                a2 = a2 + xcol[d, r2] * b
            acc[r1] = a1
            acc[r2] = a2
            return _

        lax.fori_loop(0, _RPW // 32, chunk_body, 0)

    pltpu.make_async_copy(u_hbm.at[pl.ds(0, _RPW)], gu, sem_g).wait()
    pltpu.make_async_copy(v_hbm.at[pl.ds(0, _RPW)], gv, sem_g).wait()

    def add_body(i, _):
        s = pl.ds(i * 16, 16)
        acc[s] = acc[s] + gu[s] + gv[s] + plsc.load_gather(wtab, [ids[s]])
        return _

    lax.fori_loop(0, _RPW // 16, add_body, 0)

    pltpu.sync_copy(acc, out_hbm.at[pl.ds(base, _RPW)])


def kernel(X, pro_id, celeb_id, season, beta, u_pro, v_celeb, w_season):
    return _sc_fused(
        X.T,
        pro_id.astype(jnp.int32),
        celeb_id.astype(jnp.int32),
        season.astype(jnp.int32),
        jnp.repeat(beta, 16),
        u_pro,
        v_celeb,
        w_season,
    )

# --- scband reference (transcript-rebuilt; emitter-appended) ---
"""Pipeline reference for scband-mixed-lmtorch-83940840833298 (READ-ONLY COPY).

The authoritative reference and input builder live on the scoring server;
editing this copy changes nothing except your own understanding.
"""

import jax, jax.numpy as jnp
import numpy as np

N = 16384
D = 64
N_PRO = 100000
N_CELEB = 1000000
N_SEASON = 1000


def setup_inputs(seed: int = 0) -> dict:
    key = jax.random.key(seed)
    k1, k2, k3, k4, k5, k6, k7, k8 = jax.random.split(key, 8)
    X = jax.random.normal(k1, (N, D), dtype=jnp.float32)
    pro_id = jax.random.randint(k2, (N,), 0, N_PRO, dtype=jnp.int64 if jax.config.jax_enable_x64 else jnp.int32)
    celeb_id = jax.random.randint(k3, (N,), 0, N_CELEB, dtype=jnp.int64 if jax.config.jax_enable_x64 else jnp.int32)
    season = jax.random.randint(k4, (N,), 0, N_SEASON, dtype=jnp.int64 if jax.config.jax_enable_x64 else jnp.int32)
    # Learned parameters (torch inits to zeros; we use small random values for a nontrivial output)
    beta = jax.random.normal(k5, (D,), dtype=jnp.float32) * 0.02
    u_pro = jax.random.normal(k6, (N_PRO,), dtype=jnp.float32) * 0.02
    v_celeb = jax.random.normal(k7, (N_CELEB,), dtype=jnp.float32) * 0.02
    w_season = jax.random.normal(k8, (N_SEASON,), dtype=jnp.float32) * 0.02
    return {"X": X, "pro_id": pro_id, "celeb_id": celeb_id, "season": season,
            "beta": beta, "u_pro": u_pro, "v_celeb": v_celeb, "w_season": w_season}


def reference(X, pro_id, celeb_id, season, beta, u_pro, v_celeb, w_season):
    # y = X @ beta + u[pro_id] + v[celeb_id] + w[season]
    y_pred = X @ beta
    y_pred = y_pred + jnp.take(u_pro, pro_id, axis=0)
    y_pred = y_pred + jnp.take(v_celeb, celeb_id, axis=0)
    y_pred = y_pred + jnp.take(w_season, season, axis=0)
    return y_pred

if __name__ == "__main__":
    import jax
    _d = setup_inputs()
    print(jax.jit(kernel)(*tuple(_d.values())))

</pallas_src>

<mosaic_0001>
#map = affine_map<(d0, d1) -> (0, 0)>
#map1 = affine_map<(d0, d1) -> (0)>
module attributes {stable_mosaic.version = 14 : i64} {
  func.func @_sc_fused(%arg0: i32, %arg1: i32, %arg2: memref<64x16384xf32, #tpu.memory_space<hbm>>, %arg3: memref<16384xi32, #tpu.memory_space<hbm>>, %arg4: memref<16384xi32, #tpu.memory_space<hbm>>, %arg5: memref<16384xi32, #tpu.memory_space<hbm>>, %arg6: memref<1024xf32, #tpu.memory_space<hbm>>, %arg7: memref<100000xf32, #tpu.memory_space<hbm>>, %arg8: memref<1000000xf32, #tpu.memory_space<hbm>>, %arg9: memref<1000xf32, #tpu.memory_space<hbm>>, %arg10: memref<16384xf32, #tpu.memory_space<hbm>>, %arg11: memref<512xi32, #tpu.memory_space<vmem>>, %arg12: memref<512xi32, #tpu.memory_space<vmem>>, %arg13: memref<512xi32, #tpu.memory_space<vmem>>, %arg14: memref<64x512xf32, #tpu.memory_space<vmem>>, %arg15: memref<1024xf32, #tpu.memory_space<vmem>>, %arg16: memref<512xf32, #tpu.memory_space<vmem>>, %arg17: memref<512xf32, #tpu.memory_space<vmem>>, %arg18: memref<512xf32, #tpu.memory_space<vmem>>, %arg19: memref<1024xf32, #tpu.memory_space<vmem>>, %arg20: memref<!tpu.dma_semaphore, #tpu.memory_space<semaphore_mem>>, %arg21: memref<!tpu.dma_semaphore, #tpu.memory_space<semaphore_mem>>, %arg22: memref<!tpu.dma_semaphore, #tpu.memory_space<semaphore_mem>>) attributes {dimension_semantics = [#tpu.dimension_semantics<core_parallel>, #tpu.dimension_semantics<subcore_parallel>], iteration_bounds = array<i64: 2, 16>, scalar_prefetch = 0 : i64, scratch_operands = 12 : i64, tpu.core_type = #tpu.core_type<sc_vector_subcore>, window_params = [{transform_indices = #map}, {transform_indices = #map1}, {transform_indices = #map1}, {transform_indices = #map1}, {transform_indices = #map1}, {transform_indices = #map1}, {transform_indices = #map1}, {transform_indices = #map1}, {transform_indices = #map1}]} {
    %mul3A = arith.constant 2 : i32
    %mul3A_0 = arith.muli %arg1, %mul3A : i32
    %add3A = arith.addi %mul3A_0, %arg0 : i32
    %mul3A_1 = arith.constant 512 : i32
    %mul3A_2 = arith.muli %add3A, %mul3A_1 : i32
    %dma_start3A = tpu.memref_slice %arg3[%mul3A_2] : memref<16384xi32, #tpu.memory_space<hbm>> -> memref<512xi32, #tpu.memory_space<hbm>>
    %dma_start3A_3 = tpu.memref_slice %arg3[%mul3A_2] : memref<16384xi32, #tpu.memory_space<hbm>> -> memref<512xi32, #tpu.memory_space<hbm>>
    tpu.enqueue_dma source(%dma_start3A_3 : memref<512xi32, #tpu.memory_space<hbm>>) target(%arg11 : memref<512xi32, #tpu.memory_space<vmem>>) target_semaphore(%arg20 : memref<!tpu.dma_semaphore, #tpu.memory_space<semaphore_mem>>)
    %dma_start3A_4 = tpu.memref_slice %arg4[%mul3A_2] : memref<16384xi32, #tpu.memory_space<hbm>> -> memref<512xi32, #tpu.memory_space<hbm>>
    %dma_start3A_5 = tpu.memref_slice %arg4[%mul3A_2] : memref<16384xi32, #tpu.memory_space<hbm>> -> memref<512xi32, #tpu.memory_space<hbm>>
    tpu.enqueue_dma source(%dma_start3A_5 : memref<512xi32, #tpu.memory_space<hbm>>) target(%arg12 : memref<512xi32, #tpu.memory_space<vmem>>) target_semaphore(%arg20 : memref<!tpu.dma_semaphore, #tpu.memory_space<semaphore_mem>>)
    %dma_start3A_6 = tpu.memref_slice %arg5[%mul3A_2] : memref<16384xi32, #tpu.memory_space<hbm>> -> memref<512xi32, #tpu.memory_space<hbm>>
    %dma_start3A_7 = tpu.memref_slice %arg5[%mul3A_2] : memref<16384xi32, #tpu.memory_space<hbm>> -> memref<512xi32, #tpu.memory_space<hbm>>
    tpu.enqueue_dma source(%dma_start3A_7 : memref<512xi32, #tpu.memory_space<hbm>>) target(%arg13 : memref<512xi32, #tpu.memory_space<vmem>>) target_semaphore(%arg20 : memref<!tpu.dma_semaphore, #tpu.memory_space<semaphore_mem>>)
    tpu.enqueue_dma source(%arg6 : memref<1024xf32, #tpu.memory_space<hbm>>) target(%arg15 : memref<1024xf32, #tpu.memory_space<vmem>>) target_semaphore(%arg20 : memref<!tpu.dma_semaphore, #tpu.memory_space<semaphore_mem>>)
    %dma_start3A_8 = arith.constant 0 : i32
    %dma_start3A_9 = tpu.memref_slice %arg19[%dma_start3A_8] : memref<1024xf32, #tpu.memory_space<vmem>> -> memref<1000xf32, #tpu.memory_space<vmem>>
    %dma_start3A_10 = arith.constant 0 : i32
    %dma_start3A_11 = tpu.memref_slice %arg19[%dma_start3A_10] : memref<1024xf32, #tpu.memory_space<vmem>> -> memref<1000xf32, #tpu.memory_space<vmem>>
    tpu.enqueue_dma source(%arg9 : memref<1000xf32, #tpu.memory_space<hbm>>) target(%dma_start3A_11 : memref<1000xf32, #tpu.memory_space<vmem>>) target_semaphore(%arg20 : memref<!tpu.dma_semaphore, #tpu.memory_space<semaphore_mem>>)
    %dma_start3A_12 = arith.constant 0 : i32
    %dma_start3A_13 = arith.constant 0 : i32
    %dma_start3A_14 = tpu.memref_slice %arg14[%dma_start3A_12, %dma_start3A_13] : memref<64x512xf32, #tpu.memory_space<vmem>> -> memref<32x512xf32, #tpu.memory_space<vmem>>
    %dma_start3A_15 = arith.constant 0 : i32
    %dma_start3A_16 = tpu.memref_slice %arg2[%dma_start3A_15, %mul3A_2] : memref<64x16384xf32, #tpu.memory_space<hbm>> -> memref<32x512xf32, #tpu.memory_space<hbm>>
    %dma_start3A_17 = arith.constant 0 : i32
    %dma_start3A_18 = arith.constant 0 : i32
    %dma_start3A_19 = tpu.memref_slice %arg14[%dma_start3A_17, %dma_start3A_18] : memref<64x512xf32, #tpu.memory_space<vmem>> -> memref<32x512xf32, #tpu.memory_space<vmem>>
    %dma_start3A_20 = arith.constant 0 : i32
    %dma_start3A_21 = tpu.memref_slice %arg2[%dma_start3A_20, %mul3A_2] : memref<64x16384xf32, #tpu.memory_space<hbm>> -> memref<32x512xf32, #tpu.memory_space<hbm>>
    tpu.enqueue_dma source(%dma_start3A_21 : memref<32x512xf32, #tpu.memory_space<hbm>>) target(%dma_start3A_19 : memref<32x512xf32, #tpu.memory_space<vmem>>) target_semaphore(%arg21 : memref<!tpu.dma_semaphore, #tpu.memory_space<semaphore_mem>>)
    %dma_wait3A = tpu.memref_slice %arg3[%mul3A_2] : memref<16384xi32, #tpu.memory_space<hbm>> -> memref<512xi32, #tpu.memory_space<hbm>>
    %dma_wait3A_22 = tpu.memref_slice %arg3[%mul3A_2] : memref<16384xi32, #tpu.memory_space<hbm>> -> memref<512xi32, #tpu.memory_space<hbm>>
    tpu.wait_dma2 semaphore(%arg20 : memref<!tpu.dma_semaphore, #tpu.memory_space<semaphore_mem>>) src(%dma_wait3A_22 : memref<512xi32, #tpu.memory_space<hbm>>) dst(%arg11 : memref<512xi32, #tpu.memory_space<vmem>>)
    %dma_wait3A_23 = tpu.memref_slice %arg4[%mul3A_2] : memref<16384xi32, #tpu.memory_space<hbm>> -> memref<512xi32, #tpu.memory_space<hbm>>
    %dma_wait3A_24 = tpu.memref_slice %arg4[%mul3A_2] : memref<16384xi32, #tpu.memory_space<hbm>> -> memref<512xi32, #tpu.memory_space<hbm>>
    tpu.wait_dma2 semaphore(%arg20 : memref<!tpu.dma_semaphore, #tpu.memory_space<semaphore_mem>>) src(%dma_wait3A_24 : memref<512xi32, #tpu.memory_space<hbm>>) dst(%arg12 : memref<512xi32, #tpu.memory_space<vmem>>)
    %dma_wait3A_25 = tpu.memref_slice %arg5[%mul3A_2] : memref<16384xi32, #tpu.memory_space<hbm>> -> memref<512xi32, #tpu.memory_space<hbm>>
    %dma_wait3A_26 = tpu.memref_slice %arg5[%mul3A_2] : memref<16384xi32, #tpu.memory_space<hbm>> -> memref<512xi32, #tpu.memory_space<hbm>>
    tpu.wait_dma2 semaphore(%arg20 : memref<!tpu.dma_semaphore, #tpu.memory_space<semaphore_mem>>) src(%dma_wait3A_26 : memref<512xi32, #tpu.memory_space<hbm>>) dst(%arg13 : memref<512xi32, #tpu.memory_space<vmem>>)
    tpu.wait_dma2 semaphore(%arg20 : memref<!tpu.dma_semaphore, #tpu.memory_space<semaphore_mem>>) src(%arg6 : memref<1024xf32, #tpu.memory_space<hbm>>) dst(%arg15 : memref<1024xf32, #tpu.memory_space<vmem>>)
    %dma_wait3A_27 = arith.constant 0 : i32
    %dma_wait3A_28 = tpu.memref_slice %arg19[%dma_wait3A_27] : memref<1024xf32, #tpu.memory_space<vmem>> -> memref<1000xf32, #tpu.memory_space<vmem>>
    %dma_wait3A_29 = arith.constant 0 : i32
    %dma_wait3A_30 = tpu.memref_slice %arg19[%dma_wait3A_29] : memref<1024xf32, #tpu.memory_space<vmem>> -> memref<1000xf32, #tpu.memory_space<vmem>>
    tpu.wait_dma2 semaphore(%arg20 : memref<!tpu.dma_semaphore, #tpu.memory_space<semaphore_mem>>) src(%arg9 : memref<1000xf32, #tpu.memory_space<hbm>>) dst(%dma_wait3A_30 : memref<1000xf32, #tpu.memory_space<vmem>>)
    %dma_start3A_31 = arith.constant 32 : i32
    %dma_start3A_32 = arith.constant 0 : i32
    %dma_start3A_33 = tpu.memref_slice %arg14[%dma_start3A_31, %dma_start3A_32] : memref<64x512xf32, #tpu.memory_space<vmem>> -> memref<32x512xf32, #tpu.memory_space<vmem>>
    %dma_start3A_34 = arith.constant 32 : i32
    %dma_start3A_35 = tpu.memref_slice %arg2[%dma_start3A_34, %mul3A_2] : memref<64x16384xf32, #tpu.memory_space<hbm>> -> memref<32x512xf32, #tpu.memory_space<hbm>>
    %dma_start3A_36 = arith.constant 32 : i32
    %dma_start3A_37 = arith.constant 0 : i32
    %dma_start3A_38 = tpu.memref_slice %arg14[%dma_start3A_36, %dma_start3A_37] : memref<64x512xf32, #tpu.memory_space<vmem>> -> memref<32x512xf32, #tpu.memory_space<vmem>>
    %dma_start3A_39 = arith.constant 32 : i32
    %dma_start3A_40 = tpu.memref_slice %arg2[%dma_start3A_39, %mul3A_2] : memref<64x16384xf32, #tpu.memory_space<hbm>> -> memref<32x512xf32, #tpu.memory_space<hbm>>
    tpu.enqueue_dma source(%dma_start3A_40 : memref<32x512xf32, #tpu.memory_space<hbm>>) target(%dma_start3A_38 : memref<32x512xf32, #tpu.memory_space<vmem>>) target_semaphore(%arg20 : memref<!tpu.dma_semaphore, #tpu.memory_space<semaphore_mem>>)
    %scan3A = arith.constant 0 : i32
    %scan3A_41 = arith.constant 0 : i32
    %scan3A_42 = arith.constant 8 : i32
    %scan3A_43 = arith.addi %scan3A_41, %scan3A_42 : i32
    %scan3A_44 = arith.constant 1 : i32
    scf.for %scan3A_92 = %scan3A_41 to %scan3A_43 step %scan3A_44  : i32 {
      %mul3A_93 = arith.constant 64 : i32
      %mul3A_94 = arith.muli %scan3A_92, %mul3A_93 : i32
      %dma_start3A_95 = tpu.memref_slice %arg17[%mul3A_94] : memref<512xf32, #tpu.memory_space<vmem>> -> memref<64xf32, #tpu.memory_space<vmem>>
      %dma_start3A_96 = tpu.memref_slice %arg11[%mul3A_94] : memref<512xi32, #tpu.memory_space<vmem>> -> memref<64xi32, #tpu.memory_space<vmem>>
      %dma_start3A_97 = arith.constant 0 : i32
      %dma_start3A_98 = tpu.memref_slice %arg7[%dma_start3A_97] : memref<100000xf32, #tpu.memory_space<hbm>> -> memref<100000xf32, #tpu.memory_space<hbm>>
      tpu.enqueue_indirect_dma source(%dma_start3A_98 : memref<100000xf32, #tpu.memory_space<hbm>>) target(%dma_start3A_95 : memref<64xf32, #tpu.memory_space<vmem>>) offsets(%dma_start3A_96 : memref<64xi32, #tpu.memory_space<vmem>>) semaphore(%arg22 : memref<!tpu.dma_semaphore, #tpu.memory_space<semaphore_mem>>)
      %dma_start3A_99 = tpu.memref_slice %arg18[%mul3A_94] : memref<512xf32, #tpu.memory_space<vmem>> -> memref<64xf32, #tpu.memory_space<vmem>>
      %dma_start3A_100 = tpu.memref_slice %arg12[%mul3A_94] : memref<512xi32, #tpu.memory_space<vmem>> -> memref<64xi32, #tpu.memory_space<vmem>>
      %dma_start3A_101 = arith.constant 0 : i32
      %dma_start3A_102 = tpu.memref_slice %arg8[%dma_start3A_101] : memref<1000000xf32, #tpu.memory_space<hbm>> -> memref<1000000xf32, #tpu.memory_space<hbm>>
      tpu.enqueue_indirect_dma source(%dma_start3A_102 : memref<1000000xf32, #tpu.memory_space<hbm>>) target(%dma_start3A_99 : memref<64xf32, #tpu.memory_space<vmem>>) offsets(%dma_start3A_100 : memref<64xi32, #tpu.memory_space<vmem>>) semaphore(%arg22 : memref<!tpu.dma_semaphore, #tpu.memory_space<semaphore_mem>>)
    }
    %scan3A_45 = arith.constant 8 : i32
    %dma_wait3A_46 = arith.constant 0 : i32
    %dma_wait3A_47 = arith.constant 0 : i32
    %dma_wait3A_48 = tpu.memref_slice %arg14[%dma_wait3A_46, %dma_wait3A_47] : memref<64x512xf32, #tpu.memory_space<vmem>> -> memref<32x512xf32, #tpu.memory_space<vmem>>
    %dma_wait3A_49 = arith.constant 0 : i32
    %dma_wait3A_50 = tpu.memref_slice %arg2[%dma_wait3A_49, %mul3A_2] : memref<64x16384xf32, #tpu.memory_space<hbm>> -> memref<32x512xf32, #tpu.memory_space<hbm>>
    %dma_wait3A_51 = arith.constant 0 : i32
    %dma_wait3A_52 = arith.constant 0 : i32
    %dma_wait3A_53 = tpu.memref_slice %arg14[%dma_wait3A_51, %dma_wait3A_52] : memref<64x512xf32, #tpu.memory_space<vmem>> -> memref<32x512xf32, #tpu.memory_space<vmem>>
    %dma_wait3A_54 = arith.constant 0 : i32
    %dma_wait3A_55 = tpu.memref_slice %arg2[%dma_wait3A_54, %mul3A_2] : memref<64x16384xf32, #tpu.memory_space<hbm>> -> memref<32x512xf32, #tpu.memory_space<hbm>>
    tpu.wait_dma2 semaphore(%arg21 : memref<!tpu.dma_semaphore, #tpu.memory_space<semaphore_mem>>) src(%dma_wait3A_55 : memref<32x512xf32, #tpu.memory_space<hbm>>) dst(%dma_wait3A_53 : memref<32x512xf32, #tpu.memory_space<vmem>>)
    %scan3A_56 = arith.constant 0 : i32
    %scan3A_57 = arith.constant 0 : i32
    %scan3A_58 = arith.constant 16 : i32
    %scan3A_59 = arith.addi %scan3A_57, %scan3A_58 : i32
    %scan3A_60 = arith.constant 1 : i32
    scf.for %scan3A_92 = %scan3A_57 to %scan3A_59 step %scan3A_60  : i32 {
      %mul3A_93 = arith.constant 32 : i32
      %mul3A_94 = arith.muli %scan3A_92, %mul3A_93 : i32
      %mul3A_95 = arith.constant 32 : i32
      %mul3A_96 = arith.muli %scan3A_92, %mul3A_95 : i32
      %add3A_97 = arith.constant 16 : i32
      %add3A_98 = arith.addi %mul3A_96, %add3A_97 : i32
      %get3A = arith.constant 0 : index
      %get3A_99 = tpu.vector_load %arg15[%get3A] {strides = array<i32>} : memref<1024xf32, #tpu.memory_space<vmem>>, vector<16xf32>,
      %get3A_100 = arith.constant 0 : i32
      %get3A_101 = arith.index_cast %get3A_100 : i32 to index
      %get3A_102 = arith.index_cast %mul3A_94 : i32 to index
      %get3A_103 = tpu.vector_load %arg14[%get3A_101, %get3A_102] {strides = array<i32>} : memref<64x512xf32, #tpu.memory_space<vmem>>, vector<16xf32>,
      %mul3A_104 = arith.mulf %get3A_103, %get3A_99 : vector<16xf32>
      %get3A_105 = arith.constant 0 : i32
      %get3A_106 = arith.index_cast %get3A_105 : i32 to index
      %get3A_107 = arith.index_cast %add3A_98 : i32 to index
      %get3A_108 = tpu.vector_load %arg14[%get3A_106, %get3A_107] {strides = array<i32>} : memref<64x512xf32, #tpu.memory_space<vmem>>, vector<16xf32>,
      %mul3A_109 = arith.mulf %get3A_108, %get3A_99 : vector<16xf32>
      %get3A_110 = arith.constant 16 : index
      %get3A_111 = tpu.vector_load %arg15[%get3A_110] {strides = array<i32>} : memref<1024xf32, #tpu.memory_space<vmem>>, vector<16xf32>,
      %get3A_112 = arith.constant 1 : i32
      %get3A_113 = arith.index_cast %get3A_112 : i32 to index
      %get3A_114 = arith.index_cast %mul3A_94 : i32 to index
      %get3A_115 = tpu.vector_load %arg14[%get3A_113, %get3A_114] {strides = array<i32>} : memref<64x512xf32, #tpu.memory_space<vmem>>, vector<16xf32>,
      %mul3A_116 = arith.mulf %get3A_115, %get3A_111 : vector<16xf32>
      %add3A_117 = arith.addf %mul3A_104, %mul3A_116 : vector<16xf32>
      %get3A_118 = arith.constant 1 : i32
      %get3A_119 = arith.index_cast %get3A_118 : i32 to index
      %get3A_120 = arith.index_cast %add3A_98 : i32 to index
      %get3A_121 = tpu.vector_load %arg14[%get3A_119, %get3A_120] {strides = array<i32>} : memref<64x512xf32, #tpu.memory_space<vmem>>, vector<16xf32>,
      %mul3A_122 = arith.mulf %get3A_121, %get3A_111 : vector<16xf32>
      %add3A_123 = arith.addf %mul3A_109, %mul3A_122 : vector<16xf32>
      %get3A_124 = arith.constant 32 : index
      %get3A_125 = tpu.vector_load %arg15[%get3A_124] {strides = array<i32>} : memref<1024xf32, #tpu.memory_space<vmem>>, vector<16xf32>,
      %get3A_126 = arith.constant 2 : i32
      %get3A_127 = arith.index_cast %get3A_126 : i32 to index
      %get3A_128 = arith.index_cast %mul3A_94 : i32 to index
      %get3A_129 = tpu.vector_load %arg14[%get3A_127, %get3A_128] {strides = array<i32>} : memref<64x512xf32, #tpu.memory_space<vmem>>, vector<16xf32>,
      %mul3A_130 = arith.mulf %get3A_129, %get3A_125 : vector<16xf32>
      %add3A_131 = arith.addf %add3A_117, %mul3A_130 : vector<16xf32>
      %get3A_132 = arith.constant 2 : i32
      %get3A_133 = arith.index_cast %get3A_132 : i32 to index
      %get3A_134 = arith.index_cast %add3A_98 : i32 to index
      %get3A_135 = tpu.vector_load %arg14[%get3A_133, %get3A_134] {strides = array<i32>} : memref<64x512xf32, #tpu.memory_space<vmem>>, vector<16xf32>,
      %mul3A_136 = arith.mulf %get3A_135, %get3A_125 : vector<16xf32>
      %add3A_137 = arith.addf %add3A_123, %mul3A_136 : vector<16xf32>
      %get3A_138 = arith.constant 48 : index
      %get3A_139 = tpu.vector_load %arg15[%get3A_138] {strides = array<i32>} : memref<1024xf32, #tpu.memory_space<vmem>>, vector<16xf32>,
      %get3A_140 = arith.constant 3 : i32
      %get3A_141 = arith.index_cast %get3A_140 : i32 to index
      %get3A_142 = arith.index_cast %mul3A_94 : i32 to index
      %get3A_143 = tpu.vector_load %arg14[%get3A_141, %get3A_142] {strides = array<i32>} : memref<64x512xf32, #tpu.memory_space<vmem>>, vector<16xf32>,
      %mul3A_144 = arith.mulf %get3A_143, %get3A_139 : vector<16xf32>
      %add3A_145 = arith.addf %add3A_131, %mul3A_144 : vector<16xf32>
      %get3A_146 = arith.constant 3 : i32
      %get3A_147 = arith.index_cast %get3A_146 : i32 to index
      %get3A_148 = arith.index_cast %add3A_98 : i32 to index
      %get3A_149 = tpu.vector_load %arg14[%get3A_147, %get3A_148] {strides = array<i32>} : memref<64x512xf32, #tpu.memory_space<vmem>>, vector<16xf32>,
      %mul3A_150 = arith.mulf %get3A_149, %get3A_139 : vector<16xf32>
      %add3A_151 = arith.addf %add3A_137, %mul3A_150 : vector<16xf32>
      %get3A_152 = arith.constant 64 : index
      %get3A_153 = tpu.vector_load %arg15[%get3A_152] {strides = array<i32>} : memref<1024xf32, #tpu.memory_space<vmem>>, vector<16xf32>,
      %get3A_154 = arith.constant 4 : i32
      %get3A_155 = arith.index_cast %get3A_154 : i32 to index
      %get3A_156 = arith.index_cast %mul3A_94 : i32 to index
      %get3A_157 = tpu.vector_load %arg14[%get3A_155, %get3A_156] {strides = array<i32>} : memref<64x512xf32, #tpu.memory_space<vmem>>, vector<16xf32>,
      %mul3A_158 = arith.mulf %get3A_157, %get3A_153 : vector<16xf32>
      %add3A_159 = arith.addf %add3A_145, %mul3A_158 : vector<16xf32>
      %get3A_160 = arith.constant 4 : i32
      %get3A_161 = arith.index_cast %get3A_160 : i32 to index
      %get3A_162 = arith.index_cast %add3A_98 : i32 to index
      %get3A_163 = tpu.vector_load %arg14[%get3A_161, %get3A_162] {strides = array<i32>} : memref<64x512xf32, #tpu.memory_space<vmem>>, vector<16xf32>,
      %mul3A_164 = arith.mulf %get3A_163, %get3A_153 : vector<16xf32>
      %add3A_165 = arith.addf %add3A_151, %mul3A_164 : vector<16xf32>
      %get3A_166 = arith.constant 80 : index
      %get3A_167 = tpu.vector_load %arg15[%get3A_166] {strides = array<i32>} : memref<1024xf32, #tpu.memory_space<vmem>>, vector<16xf32>,
      %get3A_168 = arith.constant 5 : i32
      %get3A_169 = arith.index_cast %get3A_168 : i32 to index
      %get3A_170 = arith.index_cast %mul3A_94 : i32 to index
      %get3A_171 = tpu.vector_load %arg14[%get3A_169, %get3A_170] {strides = array<i32>} : memref<64x512xf32, #tpu.memory_space<vmem>>, vector<16xf32>,
      %mul3A_172 = arith.mulf %get3A_171, %get3A_167 : vector<16xf32>
      %add3A_173 = arith.addf %add3A_159, %mul3A_172 : vector<16xf32>
      %get3A_174 = arith.constant 5 : i32
      %get3A_175 = arith.index_cast %get3A_174 : i32 to index
      %get3A_176 = arith.index_cast %add3A_98 : i32 to index
      %get3A_177 = tpu.vector_load %arg14[%get3A_175, %get3A_176] {strides = array<i32>} : memref<64x512xf32, #tpu.memory_space<vmem>>, vector<16xf32>,
      %mul3A_178 = arith.mulf %get3A_177, %get3A_167 : vector<16xf32>
      %add3A_179 = arith.addf %add3A_165, %mul3A_178 : vector<16xf32>
      %get3A_180 = arith.constant 96 : index
      %get3A_181 = tpu.vector_load %arg15[%get3A_180] {strides = array<i32>} : memref<1024xf32, #tpu.memory_space<vmem>>, vector<16xf32>,
      %get3A_182 = arith.constant 6 : i32
      %get3A_183 = arith.index_cast %get3A_182 : i32 to index
      %get3A_184 = arith.index_cast %mul3A_94 : i32 to index
      %get3A_185 = tpu.vector_load %arg14[%get3A_183, %get3A_184] {strides = array<i32>} : memref<64x512xf32, #tpu.memory_space<vmem>>, vector<16xf32>,
      %mul3A_186 = arith.mulf %get3A_185, %get3A_181 : vector<16xf32>
      %add3A_187 = arith.addf %add3A_173, %mul3A_186 : vector<16xf32>
      %get3A_188 = arith.constant 6 : i32
      %get3A_189 = arith.index_cast %get3A_188 : i32 to index
      %get3A_190 = arith.index_cast %add3A_98 : i32 to index
      %get3A_191 = tpu.vector_load %arg14[%get3A_189, %get3A_190] {strides = array<i32>} : memref<64x512xf32, #tpu.memory_space<vmem>>, vector<16xf32>,
      %mul3A_192 = arith.mulf %get3A_191, %get3A_181 : vector<16xf32>
      %add3A_193 = arith.addf %add3A_179, %mul3A_192 : vector<16xf32>
      %get3A_194 = arith.constant 112 : index
      %get3A_195 = tpu.vector_load %arg15[%get3A_194] {strides = array<i32>} : memref<1024xf32, #tpu.memory_space<vmem>>, vector<16xf32>,
      %get3A_196 = arith.constant 7 : i32
      %get3A_197 = arith.index_cast %get3A_196 : i32 to index
      %get3A_198 = arith.index_cast %mul3A_94 : i32 to index
      %get3A_199 = tpu.vector_load %arg14[%get3A_197, %get3A_198] {strides = array<i32>} : memref<64x512xf32, #tpu.memory_space<vmem>>, vector<16xf32>,
      %mul3A_200 = arith.mulf %get3A_199, %get3A_195 : vector<16xf32>
      %add3A_201 = arith.addf %add3A_187, %mul3A_200 : vector<16xf32>
      %get3A_202 = arith.constant 7 : i32
      %get3A_203 = arith.index_cast %get3A_202 : i32 to index
      %get3A_204 = arith.index_cast %add3A_98 : i32 to index
      %get3A_205 = tpu.vector_load %arg14[%get3A_203, %get3A_204] {strides = array<i32>} : memref<64x512xf32, #tpu.memory_space<vmem>>, vector<16xf32>,
      %mul3A_206 = arith.mulf %get3A_205, %get3A_195 : vector<16xf32>
      %add3A_207 = arith.addf %add3A_193, %mul3A_206 : vector<16xf32>
      %get3A_208 = arith.constant 128 : index
      %get3A_209 = tpu.vector_load %arg15[%get3A_208] {strides = array<i32>} : memref<1024xf32, #tpu.memory_space<vmem>>, vector<16xf32>,
      %get3A_210 = arith.constant 8 : i32
      %get3A_211 = arith.index_cast %get3A_210 : i32 to index
      %get3A_212 = arith.index_cast %mul3A_94 : i32 to index
      %get3A_213 = tpu.vector_load %arg14[%get3A_211, %get3A_212] {strides = array<i32>} : memref<64x512xf32, #tpu.memory_space<vmem>>, vector<16xf32>,
      %mul3A_214 = arith.mulf %get3A_213, %get3A_209 : vector<16xf32>
      %add3A_215 = arith.addf %add3A_201, %mul3A_214 : vector<16xf32>
      %get3A_216 = arith.constant 8 : i32
      %get3A_217 = arith.index_cast %get3A_216 : i32 to index
      %get3A_218 = arith.index_cast %add3A_98 : i32 to index
      %get3A_219 = tpu.vector_load %arg14[%get3A_217, %get3A_218] {strides = array<i32>} : memref<64x512xf32, #tpu.memory_space<vmem>>, vector<16xf32>,
      %mul3A_220 = arith.mulf %get3A_219, %get3A_209 : vector<16xf32>
      %add3A_221 = arith.addf %add3A_207, %mul3A_220 : vector<16xf32>
      %get3A_222 = arith.constant 144 : index
      %get3A_223 = tpu.vector_load %arg15[%get3A_222] {strides = array<i32>} : memref<1024xf32, #tpu.memory_space<vmem>>, vector<16xf32>,
      %get3A_224 = arith.constant 9 : i32
      %get3A_225 = arith.index_cast %get3A_224 : i32 to index
      %get3A_226 = arith.index_cast %mul3A_94 : i32 to index
      %get3A_227 = tpu.vector_load %arg14[%get3A_225, %get3A_226] {strides = array<i32>} : memref<64x512xf32, #tpu.memory_space<vmem>>, vector<16xf32>,
      %mul3A_228 = arith.mulf %get3A_227, %get3A_223 : vector<16xf32>
      %add3A_229 = arith.addf %add3A_215, %mul3A_228 : vector<16xf32>
      %get3A_230 = arith.constant 9 : i32
      %get3A_231 = arith.index_cast %get3A_230 : i32 to index
      %get3A_232 = arith.index_cast %add3A_98 : i32 to index
      %get3A_233 = tpu.vector_load %arg14[%get3A_231, %get3A_232] {strides = array<i32>} : memref<64x512xf32, #tpu.memory_space<vmem>>, vector<16xf32>,
      %mul3A_234 = arith.mulf %get3A_233, %get3A_223 : vector<16xf32>
      %add3A_235 = arith.addf %add3A_221, %mul3A_234 : vector<16xf32>
      %get3A_236 = arith.constant 160 : index
      %get3A_237 = tpu.vector_load %arg15[%get3A_236] {strides = array<i32>} : memref<1024xf32, #tpu.memory_space<vmem>>, vector<16xf32>,
      %get3A_238 = arith.constant 10 : i32
      %get3A_239 = arith.index_cast %get3A_238 : i32 to index
      %get3A_240 = arith.index_cast %mul3A_94 : i32 to index
      %get3A_241 = tpu.vector_load %arg14[%get3A_239, %get3A_240] {strides = array<i32>} : memref<64x512xf32, #tpu.memory_space<vmem>>, vector<16xf32>,
      %mul3A_242 = arith.mulf %get3A_241, %get3A_237 : vector<16xf32>
      %add3A_243 = arith.addf %add3A_229, %mul3A_242 : vector<16xf32>
      %get3A_244 = arith.constant 10 : i32
      %get3A_245 = arith.index_cast %get3A_244 : i32 to index
      %get3A_246 = arith.index_cast %add3A_98 : i32 to index
      %get3A_247 = tpu.vector_load %arg14[%get3A_245, %get3A_246] {strides = array<i32>} : memref<64x512xf32, #tpu.memory_space<vmem>>, vector<16xf32>,
      %mul3A_248 = arith.mulf %get3A_247, %get3A_237 : vector<16xf32>
      %add3A_249 = arith.addf %add3A_235, %mul3A_248 : vector<16xf32>
      %get3A_250 = arith.constant 176 : index
      %get3A_251 = tpu.vector_load %arg15[%get3A_250] {strides = array<i32>} : memref<1024xf32, #tpu.memory_space<vmem>>, vector<16xf32>,
      %get3A_252 = arith.constant 11 : i32
      %get3A_253 = arith.index_cast %get3A_252 : i32 to index
      %get3A_254 = arith.index_cast %mul3A_94 : i32 to index
      %get3A_255 = tpu.vector_load %arg14[%get3A_253, %get3A_254] {strides = array<i32>} : memref<64x512xf32, #tpu.memory_space<vmem>>, vector<16xf32>,
      %mul3A_256 = arith.mulf %get3A_255, %get3A_251 : vector<16xf32>
      %add3A_257 = arith.addf %add3A_243, %mul3A_256 : vector<16xf32>
      %get3A_258 = arith.constant 11 : i32
      %get3A_259 = arith.index_cast %get3A_258 : i32 to index
      %get3A_260 = arith.index_cast %add3A_98 : i32 to index
      %get3A_261 = tpu.vector_load %arg14[%get3A_259, %get3A_260] {strides = array<i32>} : memref<64x512xf32, #tpu.memory_space<vmem>>, vector<16xf32>,
      %mul3A_262 = arith.mulf %get3A_261, %get3A_251 : vector<16xf32>
      %add3A_263 = arith.addf %add3A_249, %mul3A_262 : vector<16xf32>
      %get3A_264 = arith.constant 192 : index
      %get3A_265 = tpu.vector_load %arg15[%get3A_264] {strides = array<i32>} : memref<1024xf32, #tpu.memory_space<vmem>>, vector<16xf32>,
      %get3A_266 = arith.constant 12 : i32
      %get3A_267 = arith.index_cast %get3A_266 : i32 to index
      %get3A_268 = arith.index_cast %mul3A_94 : i32 to index
      %get3A_269 = tpu.vector_load %arg14[%get3A_267, %get3A_268] {strides = array<i32>} : memref<64x512xf32, #tpu.memory_space<vmem>>, vector<16xf32>,
      %mul3A_270 = arith.mulf %get3A_269, %get3A_265 : vector<16xf32>
      %add3A_271 = arith.addf %add3A_257, %mul3A_270 : vector<16xf32>
      %get3A_272 = arith.constant 12 : i32
      %get3A_273 = arith.index_cast %get3A_272 : i32 to index
      %get3A_274 = arith.index_cast %add3A_98 : i32 to index
      %get3A_275 = tpu.vector_load %arg14[%get3A_273, %get3A_274] {strides = array<i32>} : memref<64x512xf32, #tpu.memory_space<vmem>>, vector<16xf32>,
      %mul3A_276 = arith.mulf %get3A_275, %get3A_265 : vector<16xf32>
      %add3A_277 = arith.addf %add3A_263, %mul3A_276 : vector<16xf32>
      %get3A_278 = arith.constant 208 : index
      %get3A_279 = tpu.vector_load %arg15[%get3A_278] {strides = array<i32>} : memref<1024xf32, #tpu.memory_space<vmem>>, vector<16xf32>,
      %get3A_280 = arith.constant 13 : i32
      %get3A_281 = arith.index_cast %get3A_280 : i32 to index
      %get3A_282 = arith.index_cast %mul3A_94 : i32 to index
      %get3A_283 = tpu.vector_load %arg14[%get3A_281, %get3A_282] {strides = array<i32>} : memref<64x512xf32, #tpu.memory_space<vmem>>, vector<16xf32>,
      %mul3A_284 = arith.mulf %get3A_283, %get3A_279 : vector<16xf32>
      %add3A_285 = arith.addf %add3A_271, %mul3A_284 : vector<16xf32>
      %get3A_286 = arith.constant 13 : i32
      %get3A_287 = arith.index_cast %get3A_286 : i32 to index
      %get3A_288 = arith.index_cast %add3A_98 : i32 to index
      %get3A_289 = tpu.vector_load %arg14[%get3A_287, %get3A_288] {strides = array<i32>} : memref<64x512xf32, #tpu.memory_space<vmem>>, vector<16xf32>,
      %mul3A_290 = arith.mulf %get3A_289, %get3A_279 : vector<16xf32>
      %add3A_291 = arith.addf %add3A_277, %mul3A_290 : vector<16xf32>
      %get3A_292 = arith.constant 224 : index
      %get3A_293 = tpu.vector_load %arg15[%get3A_292] {strides = array<i32>} : memref<1024xf32, #tpu.memory_space<vmem>>, vector<16xf32>,
      %get3A_294 = arith.constant 14 : i32
      %get3A_295 = arith.index_cast %get3A_294 : i32 to index
      %get3A_296 = arith.index_cast %mul3A_94 : i32 to index
      %get3A_297 = tpu.vector_load %arg14[%get3A_295, %get3A_296] {strides = array<i32>} : memref<64x512xf32, #tpu.memory_space<vmem>>, vector<16xf32>,
      %mul3A_298 = arith.mulf %get3A_297, %get3A_293 : vector<16xf32>
      %add3A_299 = arith.addf %add3A_285, %mul3A_298 : vector<16xf32>
      %get3A_300 = arith.constant 14 : i32
      %get3A_301 = arith.index_cast %get3A_300 : i32 to index
      %get3A_302 = arith.index_cast %add3A_98 : i32 to index
      %get3A_303 = tpu.vector_load %arg14[%get3A_301, %get3A_302] {strides = array<i32>} : memref<64x512xf32, #tpu.memory_space<vmem>>, vector<16xf32>,
      %mul3A_304 = arith.mulf %get3A_303, %get3A_293 : vector<16xf32>
      %add3A_305 = arith.addf %add3A_291, %mul3A_304 : vector<16xf32>
      %get3A_306 = arith.constant 240 : index
      %get3A_307 = tpu.vector_load %arg15[%get3A_306] {strides = array<i32>} : memref<1024xf32, #tpu.memory_space<vmem>>, vector<16xf32>,
      %get3A_308 = arith.constant 15 : i32
      %get3A_309 = arith.index_cast %get3A_308 : i32 to index
      %get3A_310 = arith.index_cast %mul3A_94 : i32 to index
      %get3A_311 = tpu.vector_load %arg14[%get3A_309, %get3A_310] {strides = array<i32>} : memref<64x512xf32, #tpu.memory_space<vmem>>, vector<16xf32>,
      %mul3A_312 = arith.mulf %get3A_311, %get3A_307 : vector<16xf32>
      %add3A_313 = arith.addf %add3A_299, %mul3A_312 : vector<16xf32>
      %get3A_314 = arith.constant 15 : i32
      %get3A_315 = arith.index_cast %get3A_314 : i32 to index
      %get3A_316 = arith.index_cast %add3A_98 : i32 to index
      %get3A_317 = tpu.vector_load %arg14[%get3A_315, %get3A_316] {strides = array<i32>} : memref<64x512xf32, #tpu.memory_space<vmem>>, vector<16xf32>,
      %mul3A_318 = arith.mulf %get3A_317, %get3A_307 : vector<16xf32>
      %add3A_319 = arith.addf %add3A_305, %mul3A_318 : vector<16xf32>
      %get3A_320 = arith.constant 256 : index
      %get3A_321 = tpu.vector_load %arg15[%get3A_320] {strides = array<i32>} : memref<1024xf32, #tpu.memory_space<vmem>>, vector<16xf32>,
      %get3A_322 = arith.constant 16 : i32
      %get3A_323 = arith.index_cast %get3A_322 : i32 to index
      %get3A_324 = arith.index_cast %mul3A_94 : i32 to index
      %get3A_325 = tpu.vector_load %arg14[%get3A_323, %get3A_324] {strides = array<i32>} : memref<64x512xf32, #tpu.memory_space<vmem>>, vector<16xf32>,
      %mul3A_326 = arith.mulf %get3A_325, %get3A_321 : vector<16xf32>
      %add3A_327 = arith.addf %add3A_313, %mul3A_326 : vector<16xf32>
      %get3A_328 = arith.constant 16 : i32
      %get3A_329 = arith.index_cast %get3A_328 : i32 to index
      %get3A_330 = arith.index_cast %add3A_98 : i32 to index
      %get3A_331 = tpu.vector_load %arg14[%get3A_329, %get3A_330] {strides = array<i32>} : memref<64x512xf32, #tpu.memory_space<vmem>>, vector<16xf32>,
      %mul3A_332 = arith.mulf %get3A_331, %get3A_321 : vector<16xf32>
      %add3A_333 = arith.addf %add3A_319, %mul3A_332 : vector<16xf32>
      %get3A_334 = arith.constant 272 : index
      %get3A_335 = tpu.vector_load %arg15[%get3A_334] {strides = array<i32>} : memref<1024xf32, #tpu.memory_space<vmem>>, vector<16xf32>,
      %get3A_336 = arith.constant 17 : i32
      %get3A_337 = arith.index_cast %get3A_336 : i32 to index
      %get3A_338 = arith.index_cast %mul3A_94 : i32 to index
      %get3A_339 = tpu.vector_load %arg14[%get3A_337, %get3A_338] {strides = array<i32>} : memref<64x512xf32, #tpu.memory_space<vmem>>, vector<16xf32>,
      %mul3A_340 = arith.mulf %get3A_339, %get3A_335 : vector<16xf32>
      %add3A_341 = arith.addf %add3A_327, %mul3A_340 : vector<16xf32>
      %get3A_342 = arith.constant 17 : i32
      %get3A_343 = arith.index_cast %get3A_342 : i32 to index
      %get3A_344 = arith.index_cast %add3A_98 : i32 to index
      %get3A_345 = tpu.vector_load %arg14[%get3A_343, %get3A_344] {strides = array<i32>} : memref<64x512xf32, #tpu.memory_space<vmem>>, vector<16xf32>,
      %mul3A_346 = arith.mulf %get3A_345, %get3A_335 : vector<16xf32>
      %add3A_347 = arith.addf %add3A_333, %mul3A_346 : vector<16xf32>
      %get3A_348 = arith.constant 288 : index
      %get3A_349 = tpu.vector_load %arg15[%get3A_348] {strides = array<i32>} : memref<1024xf32, #tpu.memory_space<vmem>>, vector<16xf32>,
      %get3A_350 = arith.constant 18 : i32
      %get3A_351 = arith.index_cast %get3A_350 : i32 to index
      %get3A_352 = arith.index_cast %mul3A_94 : i32 to index
      %get3A_353 = tpu.vector_load %arg14[%get3A_351, %get3A_352] {strides = array<i32>} : memref<64x512xf32, #tpu.memory_space<vmem>>, vector<16xf32>,
      %mul3A_354 = arith.mulf %get3A_353, %get3A_349 : vector<16xf32>
      %add3A_355 = arith.addf %add3A_341, %mul3A_354 : vector<16xf32>
      %get3A_356 = arith.constant 18 : i32
      %get3A_357 = arith.index_cast %get3A_356 : i32 to index
      %get3A_358 = arith.index_cast %add3A_98 : i32 to index
      %get3A_359 = tpu.vector_load %arg14[%get3A_357, %get3A_358] {strides = array<i32>} : memref<64x512xf32, #tpu.memory_space<vmem>>, vector<16xf32>,
      %mul3A_360 = arith.mulf %get3A_359, %get3A_349 : vector<16xf32>
      %add3A_361 = arith.addf %add3A_347, %mul3A_360 : vector<16xf32>
      %get3A_362 = arith.constant 304 : index
      %get3A_363 = tpu.vector_load %arg15[%get3A_362] {strides = array<i32>} : memref<1024xf32, #tpu.memory_space<vmem>>, vector<16xf32>,
      %get3A_364 = arith.constant 19 : i32
      %get3A_365 = arith.index_cast %get3A_364 : i32 to index
      %get3A_366 = arith.index_cast %mul3A_94 : i32 to index
      %get3A_367 = tpu.vector_load %arg14[%get3A_365, %get3A_366] {strides = array<i32>} : memref<64x512xf32, #tpu.memory_space<vmem>>, vector<16xf32>,
      %mul3A_368 = arith.mulf %get3A_367, %get3A_363 : vector<16xf32>
      %add3A_369 = arith.addf %add3A_355, %mul3A_368 : vector<16xf32>
      %get3A_370 = arith.constant 19 : i32
      %get3A_371 = arith.index_cast %get3A_370 : i32 to index
      %get3A_372 = arith.index_cast %add3A_98 : i32 to index
      %get3A_373 = tpu.vector_load %arg14[%get3A_371, %get3A_372] {strides = array<i32>} : memref<64x512xf32, #tpu.memory_space<vmem>>, vector<16xf32>,
      %mul3A_374 = arith.mulf %get3A_373, %get3A_363 : vector<16xf32>
      %add3A_375 = arith.addf %add3A_361, %mul3A_374 : vector<16xf32>
      %get3A_376 = arith.constant 320 : index
      %get3A_377 = tpu.vector_load %arg15[%get3A_376] {strides = array<i32>} : memref<1024xf32, #tpu.memory_space<vmem>>, vector<16xf32>,
      %get3A_378 = arith.constant 20 : i32
      %get3A_379 = arith.index_cast %get3A_378 : i32 to index
      %get3A_380 = arith.index_cast %mul3A_94 : i32 to index
      %get3A_381 = tpu.vector_load %arg14[%get3A_379, %get3A_380] {strides = array<i32>} : memref<64x512xf32, #tpu.memory_space<vmem>>, vector<16xf32>,
      %mul3A_382 = arith.mulf %get3A_381, %get3A_377 : vector<16xf32>
      %add3A_383 = arith.addf %add3A_369, %mul3A_382 : vector<16xf32>
      %get3A_384 = arith.constant 20 : i32
      %get3A_385 = arith.index_cast %get3A_384 : i32 to index
      %get3A_386 = arith.index_cast %add3A_98 : i32 to index
      %get3A_387 = tpu.vector_load %arg14[%get3A_385, %get3A_386] {strides = array<i32>} : memref<64x512xf32, #tpu.memory_space<vmem>>, vector<16xf32>,
      %mul3A_388 = arith.mulf %get3A_387, %get3A_377 : vector<16xf32>
      %add3A_389 = arith.addf %add3A_375, %mul3A_388 : vector<16xf32>
      %get3A_390 = arith.constant 336 : index
      %get3A_391 = tpu.vector_load %arg15[%get3A_390] {strides = array<i32>} : memref<1024xf32, #tpu.memory_space<vmem>>, vector<16xf32>,
      %get3A_392 = arith.constant 21 : i32
      %get3A_393 = arith.index_cast %get3A_392 : i32 to index
      %get3A_394 = arith.index_cast %mul3A_94 : i32 to index
      %get3A_395 = tpu.vector_load %arg14[%get3A_393, %get3A_394] {strides = array<i32>} : memref<64x512xf32, #tpu.memory_space<vmem>>, vector<16xf32>,
      %mul3A_396 = arith.mulf %get3A_395, %get3A_391 : vector<16xf32>
      %add3A_397 = arith.addf %add3A_383, %mul3A_396 : vector<16xf32>
      %get3A_398 = arith.constant 21 : i32
      %get3A_399 = arith.index_cast %get3A_398 : i32 to index
      %get3A_400 = arith.index_cast %add3A_98 : i32 to index
      %get3A_401 = tpu.vector_load %arg14[%get3A_399, %get3A_400] {strides = array<i32>} : memref<64x512xf32, #tpu.memory_space<vmem>>, vector<16xf32>,
      %mul3A_402 = arith.mulf %get3A_401, %get3A_391 : vector<16xf32>
      %add3A_403 = arith.addf %add3A_389, %mul3A_402 : vector<16xf32>
      %get3A_404 = arith.constant 352 : index
      %get3A_405 = tpu.vector_load %arg15[%get3A_404] {strides = array<i32>} : memref<1024xf32, #tpu.memory_space<vmem>>, vector<16xf32>,
      %get3A_406 = arith.constant 22 : i32
      %get3A_407 = arith.index_cast %get3A_406 : i32 to index
      %get3A_408 = arith.index_cast %mul3A_94 : i32 to index
      %get3A_409 = tpu.vector_load %arg14[%get3A_407, %get3A_408] {strides = array<i32>} : memref<64x512xf32, #tpu.memory_space<vmem>>, vector<16xf32>,
      %mul3A_410 = arith.mulf %get3A_409, %get3A_405 : vector<16xf32>
      %add3A_411 = arith.addf %add3A_397, %mul3A_410 : vector<16xf32>
      %get3A_412 = arith.constant 22 : i32
      %get3A_413 = arith.index_cast %get3A_412 : i32 to index
      %get3A_414 = arith.index_cast %add3A_98 : i32 to index
      %get3A_415 = tpu.vector_load %arg14[%get3A_413, %get3A_414] {strides = array<i32>} : memref<64x512xf32, #tpu.memory_space<vmem>>, vector<16xf32>,
      %mul3A_416 = arith.mulf %get3A_415, %get3A_405 : vector<16xf32>
      %add3A_417 = arith.addf %add3A_403, %mul3A_416 : vector<16xf32>
      %get3A_418 = arith.constant 368 : index
      %get3A_419 = tpu.vector_load %arg15[%get3A_418] {strides = array<i32>} : memref<1024xf32, #tpu.memory_space<vmem>>, vector<16xf32>,
      %get3A_420 = arith.constant 23 : i32
      %get3A_421 = arith.index_cast %get3A_420 : i32 to index
      %get3A_422 = arith.index_cast %mul3A_94 : i32 to index
      %get3A_423 = tpu.vector_load %arg14[%get3A_421, %get3A_422] {strides = array<i32>} : memref<64x512xf32, #tpu.memory_space<vmem>>, vector<16xf32>,
      %mul3A_424 = arith.mulf %get3A_423, %get3A_419 : vector<16xf32>
      %add3A_425 = arith.addf %add3A_411, %mul3A_424 : vector<16xf32>
      %get3A_426 = arith.constant 23 : i32
      %get3A_427 = arith.index_cast %get3A_426 : i32 to index
      %get3A_428 = arith.index_cast %add3A_98 : i32 to index
      %get3A_429 = tpu.vector_load %arg14[%get3A_427, %get3A_428] {strides = array<i32>} : memref<64x512xf32, #tpu.memory_space<vmem>>, vector<16xf32>,
      %mul3A_430 = arith.mulf %get3A_429, %get3A_419 : vector<16xf32>
      %add3A_431 = arith.addf %add3A_417, %mul3A_430 : vector<16xf32>
      %get3A_432 = arith.constant 384 : index
      %get3A_433 = tpu.vector_load %arg15[%get3A_432] {strides = array<i32>} : memref<1024xf32, #tpu.memory_space<vmem>>, vector<16xf32>,
      %get3A_434 = arith.constant 24 : i32
      %get3A_435 = arith.index_cast %get3A_434 : i32 to index
      %get3A_436 = arith.index_cast %mul3A_94 : i32 to index
      %get3A_437 = tpu.vector_load %arg14[%get3A_435, %get3A_436] {strides = array<i32>} : memref<64x512xf32, #tpu.memory_space<vmem>>, vector<16xf32>,
      %mul3A_438 = arith.mulf %get3A_437, %get3A_433 : vector<16xf32>
      %add3A_439 = arith.addf %add3A_425, %mul3A_438 : vector<16xf32>
      %get3A_440 = arith.constant 24 : i32
      %get3A_441 = arith.index_cast %get3A_440 : i32 to index
      %get3A_442 = arith.index_cast %add3A_98 : i32 to index
      %get3A_443 = tpu.vector_load %arg14[%get3A_441, %get3A_442] {strides = array<i32>} : memref<64x512xf32, #tpu.memory_space<vmem>>, vector<16xf32>,
      %mul3A_444 = arith.mulf %get3A_443, %get3A_433 : vector<16xf32>
      %add3A_445 = arith.addf %add3A_431, %mul3A_444 : vector<16xf32>
      %get3A_446 = arith.constant 400 : index
      %get3A_447 = tpu.vector_load %arg15[%get3A_446] {strides = array<i32>} : memref<1024xf32, #tpu.memory_space<vmem>>, vector<16xf32>,
      %get3A_448 = arith.constant 25 : i32
      %get3A_449 = arith.index_cast %get3A_448 : i32 to index
      %get3A_450 = arith.index_cast %mul3A_94 : i32 to index
      %get3A_451 = tpu.vector_load %arg14[%get3A_449, %get3A_450] {strides = array<i32>} : memref<64x512xf32, #tpu.memory_space<vmem>>, vector<16xf32>,
      %mul3A_452 = arith.mulf %get3A_451, %get3A_447 : vector<16xf32>
      %add3A_453 = arith.addf %add3A_439, %mul3A_452 : vector<16xf32>
      %get3A_454 = arith.constant 25 : i32
      %get3A_455 = arith.index_cast %get3A_454 : i32 to index
      %get3A_456 = arith.index_cast %add3A_98 : i32 to index
      %get3A_457 = tpu.vector_load %arg14[%get3A_455, %get3A_456] {strides = array<i32>} : memref<64x512xf32, #tpu.memory_space<vmem>>, vector<16xf32>,
      %mul3A_458 = arith.mulf %get3A_457, %get3A_447 : vector<16xf32>
      %add3A_459 = arith.addf %add3A_445, %mul3A_458 : vector<16xf32>
      %get3A_460 = arith.constant 416 : index
      %get3A_461 = tpu.vector_load %arg15[%get3A_460] {strides = array<i32>} : memref<1024xf32, #tpu.memory_space<vmem>>, vector<16xf32>,
      %get3A_462 = arith.constant 26 : i32
      %get3A_463 = arith.index_cast %get3A_462 : i32 to index
      %get3A_464 = arith.index_cast %mul3A_94 : i32 to index
      %get3A_465 = tpu.vector_load %arg14[%get3A_463, %get3A_464] {strides = array<i32>} : memref<64x512xf32, #tpu.memory_space<vmem>>, vector<16xf32>,
      %mul3A_466 = arith.mulf %get3A_465, %get3A_461 : vector<16xf32>
      %add3A_467 = arith.addf %add3A_453, %mul3A_466 : vector<16xf32>
      %get3A_468 = arith.constant 26 : i32
      %get3A_469 = arith.index_cast %get3A_468 : i32 to index
      %get3A_470 = arith.index_cast %add3A_98 : i32 to index
      %get3A_471 = tpu.vector_load %arg14[%get3A_469, %get3A_470] {strides = array<i32>} : memref<64x512xf32, #tpu.memory_space<vmem>>, vector<16xf32>,
      %mul3A_472 = arith.mulf %get3A_471, %get3A_461 : vector<16xf32>
      %add3A_473 = arith.addf %add3A_459, %mul3A_472 : vector<16xf32>
      %get3A_474 = arith.constant 432 : index
      %get3A_475 = tpu.vector_load %arg15[%get3A_474] {strides = array<i32>} : memref<1024xf32, #tpu.memory_space<vmem>>, vector<16xf32>,
      %get3A_476 = arith.constant 27 : i32
      %get3A_477 = arith.index_cast %get3A_476 : i32 to index
      %get3A_478 = arith.index_cast %mul3A_94 : i32 to index
      %get3A_479 = tpu.vector_load %arg14[%get3A_477, %get3A_478] {strides = array<i32>} : memref<64x512xf32, #tpu.memory_space<vmem>>, vector<16xf32>,
      %mul3A_480 = arith.mulf %get3A_479, %get3A_475 : vector<16xf32>
      %add3A_481 = arith.addf %add3A_467, %mul3A_480 : vector<16xf32>
      %get3A_482 = arith.constant 27 : i32
      %get3A_483 = arith.index_cast %get3A_482 : i32 to index
      %get3A_484 = arith.index_cast %add3A_98 : i32 to index
      %get3A_485 = tpu.vector_load %arg14[%get3A_483, %get3A_484] {strides = array<i32>} : memref<64x512xf32, #tpu.memory_space<vmem>>, vector<16xf32>,
      %mul3A_486 = arith.mulf %get3A_485, %get3A_475 : vector<16xf32>
      %add3A_487 = arith.addf %add3A_473, %mul3A_486 : vector<16xf32>
      %get3A_488 = arith.constant 448 : index
      %get3A_489 = tpu.vector_load %arg15[%get3A_488] {strides = array<i32>} : memref<1024xf32, #tpu.memory_space<vmem>>, vector<16xf32>,
      %get3A_490 = arith.constant 28 : i32
      %get3A_491 = arith.index_cast %get3A_490 : i32 to index
      %get3A_492 = arith.index_cast %mul3A_94 : i32 to index
      %get3A_493 = tpu.vector_load %arg14[%get3A_491, %get3A_492] {strides = array<i32>} : memref<64x512xf32, #tpu.memory_space<vmem>>, vector<16xf32>,
      %mul3A_494 = arith.mulf %get3A_493, %get3A_489 : vector<16xf32>
      %add3A_495 = arith.addf %add3A_481, %mul3A_494 : vector<16xf32>
      %get3A_496 = arith.constant 28 : i32
      %get3A_497 = arith.index_cast %get3A_496 : i32 to index
      %get3A_498 = arith.index_cast %add3A_98 : i32 to index
      %get3A_499 = tpu.vector_load %arg14[%get3A_497, %get3A_498] {strides = array<i32>} : memref<64x512xf32, #tpu.memory_space<vmem>>, vector<16xf32>,
      %mul3A_500 = arith.mulf %get3A_499, %get3A_489 : vector<16xf32>
      %add3A_501 = arith.addf %add3A_487, %mul3A_500 : vector<16xf32>
      %get3A_502 = arith.constant 464 : index
      %get3A_503 = tpu.vector_load %arg15[%get3A_502] {strides = array<i32>} : memref<1024xf32, #tpu.memory_space<vmem>>, vector<16xf32>,
      %get3A_504 = arith.constant 29 : i32
      %get3A_505 = arith.index_cast %get3A_504 : i32 to index
      %get3A_506 = arith.index_cast %mul3A_94 : i32 to index
      %get3A_507 = tpu.vector_load %arg14[%get3A_505, %get3A_506] {strides = array<i32>} : memref<64x512xf32, #tpu.memory_space<vmem>>, vector<16xf32>,
      %mul3A_508 = arith.mulf %get3A_507, %get3A_503 : vector<16xf32>
      %add3A_509 = arith.addf %add3A_495, %mul3A_508 : vector<16xf32>
      %get3A_510 = arith.constant 29 : i32
      %get3A_511 = arith.index_cast %get3A_510 : i32 to index
      %get3A_512 = arith.index_cast %add3A_98 : i32 to index
      %get3A_513 = tpu.vector_load %arg14[%get3A_511, %get3A_512] {strides = array<i32>} : memref<64x512xf32, #tpu.memory_space<vmem>>, vector<16xf32>,
      %mul3A_514 = arith.mulf %get3A_513, %get3A_503 : vector<16xf32>
      %add3A_515 = arith.addf %add3A_501, %mul3A_514 : vector<16xf32>
      %get3A_516 = arith.constant 480 : index
      %get3A_517 = tpu.vector_load %arg15[%get3A_516] {strides = array<i32>} : memref<1024xf32, #tpu.memory_space<vmem>>, vector<16xf32>,
      %get3A_518 = arith.constant 30 : i32
      %get3A_519 = arith.index_cast %get3A_518 : i32 to index
      %get3A_520 = arith.index_cast %mul3A_94 : i32 to index
      %get3A_521 = tpu.vector_load %arg14[%get3A_519, %get3A_520] {strides = array<i32>} : memref<64x512xf32, #tpu.memory_space<vmem>>, vector<16xf32>,
      %mul3A_522 = arith.mulf %get3A_521, %get3A_517 : vector<16xf32>
      %add3A_523 = arith.addf %add3A_509, %mul3A_522 : vector<16xf32>
      %get3A_524 = arith.constant 30 : i32
      %get3A_525 = arith.index_cast %get3A_524 : i32 to index
      %get3A_526 = arith.index_cast %add3A_98 : i32 to index
      %get3A_527 = tpu.vector_load %arg14[%get3A_525, %get3A_526] {strides = array<i32>} : memref<64x512xf32, #tpu.memory_space<vmem>>, vector<16xf32>,
      %mul3A_528 = arith.mulf %get3A_527, %get3A_517 : vector<16xf32>
      %add3A_529 = arith.addf %add3A_515, %mul3A_528 : vector<16xf32>
      %get3A_530 = arith.constant 496 : index
      %get3A_531 = tpu.vector_load %arg15[%get3A_530] {strides = array<i32>} : memref<1024xf32, #tpu.memory_space<vmem>>, vector<16xf32>,
      %get3A_532 = arith.constant 31 : i32
      %get3A_533 = arith.index_cast %get3A_532 : i32 to index
      %get3A_534 = arith.index_cast %mul3A_94 : i32 to index
      %get3A_535 = tpu.vector_load %arg14[%get3A_533, %get3A_534] {strides = array<i32>} : memref<64x512xf32, #tpu.memory_space<vmem>>, vector<16xf32>,
      %mul3A_536 = arith.mulf %get3A_535, %get3A_531 : vector<16xf32>
      %add3A_537 = arith.addf %add3A_523, %mul3A_536 : vector<16xf32>
      %get3A_538 = arith.constant 31 : i32
      %get3A_539 = arith.index_cast %get3A_538 : i32 to index
      %get3A_540 = arith.index_cast %add3A_98 : i32 to index
      %get3A_541 = tpu.vector_load %arg14[%get3A_539, %get3A_540] {strides = array<i32>} : memref<64x512xf32, #tpu.memory_space<vmem>>, vector<16xf32>,
      %mul3A_542 = arith.mulf %get3A_541, %get3A_531 : vector<16xf32>
      %add3A_543 = arith.addf %add3A_529, %mul3A_542 : vector<16xf32>
      %swap3A = arith.index_cast %mul3A_94 : i32 to index
      %swap3A_544 = tpu.vector_load %arg16[%swap3A] {strides = array<i32>} : memref<512xf32, #tpu.memory_space<vmem>>, vector<16xf32>,
      tpu.vector_store %arg16[%swap3A], %add3A_537 {strides = array<i32>} : memref<512xf32, #tpu.memory_space<vmem>>, vector<16xf32>,
      %swap3A_545 = arith.index_cast %add3A_98 : i32 to index
      %swap3A_546 = tpu.vector_load %arg16[%swap3A_545] {strides = array<i32>} : memref<512xf32, #tpu.memory_space<vmem>>, vector<16xf32>,
      tpu.vector_store %arg16[%swap3A_545], %add3A_543 {strides = array<i32>} : memref<512xf32, #tpu.memory_space<vmem>>, vector<16xf32>,
    }
    %scan3A_61 = arith.constant 16 : i32
    %dma_wait3A_62 = arith.constant 32 : i32
    %dma_wait3A_63 = arith.constant 0 : i32
    %dma_wait3A_64 = tpu.memref_slice %arg14[%dma_wait3A_62, %dma_wait3A_63] : memref<64x512xf32, #tpu.memory_space<vmem>> -> memref<32x512xf32, #tpu.memory_space<vmem>>
    %dma_wait3A_65 = arith.constant 32 : i32
    %dma_wait3A_66 = tpu.memref_slice %arg2[%dma_wait3A_65, %mul3A_2] : memref<64x16384xf32, #tpu.memory_space<hbm>> -> memref<32x512xf32, #tpu.memory_space<hbm>>
    %dma_wait3A_67 = arith.constant 32 : i32
    %dma_wait3A_68 = arith.constant 0 : i32
    %dma_wait3A_69 = tpu.memref_slice %arg14[%dma_wait3A_67, %dma_wait3A_68] : memref<64x512xf32, #tpu.memory_space<vmem>> -> memref<32x512xf32, #tpu.memory_space<vmem>>
    %dma_wait3A_70 = arith.constant 32 : i32
    %dma_wait3A_71 = tpu.memref_slice %arg2[%dma_wait3A_70, %mul3A_2] : memref<64x16384xf32, #tpu.memory_space<hbm>> -> memref<32x512xf32, #tpu.memory_space<hbm>>
    tpu.wait_dma2 semaphore(%arg20 : memref<!tpu.dma_semaphore, #tpu.memory_space<semaphore_mem>>) src(%dma_wait3A_71 : memref<32x512xf32, #tpu.memory_space<hbm>>) dst(%dma_wait3A_69 : memref<32x512xf32, #tpu.memory_space<vmem>>)
    %scan3A_72 = arith.constant 0 : i32
    %scan3A_73 = arith.constant 0 : i32
    %scan3A_74 = arith.constant 16 : i32
    %scan3A_75 = arith.addi %scan3A_73, %scan3A_74 : i32
    %scan3A_76 = arith.constant 1 : i32
    scf.for %scan3A_92 = %scan3A_73 to %scan3A_75 step %scan3A_76  : i32 {
      %mul3A_93 = arith.constant 32 : i32
      %mul3A_94 = arith.muli %scan3A_92, %mul3A_93 : i32
      %mul3A_95 = arith.constant 32 : i32
      %mul3A_96 = arith.muli %scan3A_92, %mul3A_95 : i32
      %add3A_97 = arith.constant 16 : i32
      %add3A_98 = arith.addi %mul3A_96, %add3A_97 : i32
      %get3A = arith.index_cast %mul3A_94 : i32 to index
      %get3A_99 = tpu.vector_load %arg16[%get3A] {strides = array<i32>} : memref<512xf32, #tpu.memory_space<vmem>>, vector<16xf32>,
      %get3A_100 = arith.index_cast %add3A_98 : i32 to index
      %get3A_101 = tpu.vector_load %arg16[%get3A_100] {strides = array<i32>} : memref<512xf32, #tpu.memory_space<vmem>>, vector<16xf32>,
      %get3A_102 = arith.constant 512 : index
      %get3A_103 = tpu.vector_load %arg15[%get3A_102] {strides = array<i32>} : memref<1024xf32, #tpu.memory_space<vmem>>, vector<16xf32>,
      %get3A_104 = arith.constant 32 : i32
      %get3A_105 = arith.index_cast %get3A_104 : i32 to index
      %get3A_106 = arith.index_cast %mul3A_94 : i32 to index
      %get3A_107 = tpu.vector_load %arg14[%get3A_105, %get3A_106] {strides = array<i32>} : memref<64x512xf32, #tpu.memory_space<vmem>>, vector<16xf32>,
      %mul3A_108 = arith.mulf %get3A_107, %get3A_103 : vector<16xf32>
      %add3A_109 = arith.addf %get3A_99, %mul3A_108 : vector<16xf32>
      %get3A_110 = arith.constant 32 : i32
      %get3A_111 = arith.index_cast %get3A_110 : i32 to index
      %get3A_112 = arith.index_cast %add3A_98 : i32 to index
      %get3A_113 = tpu.vector_load %arg14[%get3A_111, %get3A_112] {strides = array<i32>} : memref<64x512xf32, #tpu.memory_space<vmem>>, vector<16xf32>,
      %mul3A_114 = arith.mulf %get3A_113, %get3A_103 : vector<16xf32>
      %add3A_115 = arith.addf %get3A_101, %mul3A_114 : vector<16xf32>
      %get3A_116 = arith.constant 528 : index
      %get3A_117 = tpu.vector_load %arg15[%get3A_116] {strides = array<i32>} : memref<1024xf32, #tpu.memory_space<vmem>>, vector<16xf32>,
      %get3A_118 = arith.constant 33 : i32
      %get3A_119 = arith.index_cast %get3A_118 : i32 to index
      %get3A_120 = arith.index_cast %mul3A_94 : i32 to index
      %get3A_121 = tpu.vector_load %arg14[%get3A_119, %get3A_120] {strides = array<i32>} : memref<64x512xf32, #tpu.memory_space<vmem>>, vector<16xf32>,
      %mul3A_122 = arith.mulf %get3A_121, %get3A_117 : vector<16xf32>
      %add3A_123 = arith.addf %add3A_109, %mul3A_122 : vector<16xf32>
      %get3A_124 = arith.constant 33 : i32
      %get3A_125 = arith.index_cast %get3A_124 : i32 to index
      %get3A_126 = arith.index_cast %add3A_98 : i32 to index
      %get3A_127 = tpu.vector_load %arg14[%get3A_125, %get3A_126] {strides = array<i32>} : memref<64x512xf32, #tpu.memory_space<vmem>>, vector<16xf32>,
      %mul3A_128 = arith.mulf %get3A_127, %get3A_117 : vector<16xf32>
      %add3A_129 = arith.addf %add3A_115, %mul3A_128 : vector<16xf32>
      %get3A_130 = arith.constant 544 : index
      %get3A_131 = tpu.vector_load %arg15[%get3A_130] {strides = array<i32>} : memref<1024xf32, #tpu.memory_space<vmem>>, vector<16xf32>,
      %get3A_132 = arith.constant 34 : i32
      %get3A_133 = arith.index_cast %get3A_132 : i32 to index
      %get3A_134 = arith.index_cast %mul3A_94 : i32 to index
      %get3A_135 = tpu.vector_load %arg14[%get3A_133, %get3A_134] {strides = array<i32>} : memref<64x512xf32, #tpu.memory_space<vmem>>, vector<16xf32>,
      %mul3A_136 = arith.mulf %get3A_135, %get3A_131 : vector<16xf32>
      %add3A_137 = arith.addf %add3A_123, %mul3A_136 : vector<16xf32>
      %get3A_138 = arith.constant 34 : i32
      %get3A_139 = arith.index_cast %get3A_138 : i32 to index
      %get3A_140 = arith.index_cast %add3A_98 : i32 to index
      %get3A_141 = tpu.vector_load %arg14[%get3A_139, %get3A_140] {strides = array<i32>} : memref<64x512xf32, #tpu.memory_space<vmem>>, vector<16xf32>,
      %mul3A_142 = arith.mulf %get3A_141, %get3A_131 : vector<16xf32>
      %add3A_143 = arith.addf %add3A_129, %mul3A_142 : vector<16xf32>
      %get3A_144 = arith.constant 560 : index
      %get3A_145 = tpu.vector_load %arg15[%get3A_144] {strides = array<i32>} : memref<1024xf32, #tpu.memory_space<vmem>>, vector<16xf32>,
      %get3A_146 = arith.constant 35 : i32
      %get3A_147 = arith.index_cast %get3A_146 : i32 to index
      %get3A_148 = arith.index_cast %mul3A_94 : i32 to index
      %get3A_149 = tpu.vector_load %arg14[%get3A_147, %get3A_148] {strides = array<i32>} : memref<64x512xf32, #tpu.memory_space<vmem>>, vector<16xf32>,
      %mul3A_150 = arith.mulf %get3A_149, %get3A_145 : vector<16xf32>
      %add3A_151 = arith.addf %add3A_137, %mul3A_150 : vector<16xf32>
      %get3A_152 = arith.constant 35 : i32
      %get3A_153 = arith.index_cast %get3A_152 : i32 to index
      %get3A_154 = arith.index_cast %add3A_98 : i32 to index
      %get3A_155 = tpu.vector_load %arg14[%get3A_153, %get3A_154] {strides = array<i32>} : memref<64x512xf32, #tpu.memory_space<vmem>>, vector<16xf32>,
      %mul3A_156 = arith.mulf %get3A_155, %get3A_145 : vector<16xf32>
      %add3A_157 = arith.addf %add3A_143, %mul3A_156 : vector<16xf32>
      %get3A_158 = arith.constant 576 : index
      %get3A_159 = tpu.vector_load %arg15[%get3A_158] {strides = array<i32>} : memref<1024xf32, #tpu.memory_space<vmem>>, vector<16xf32>,
      %get3A_160 = arith.constant 36 : i32
      %get3A_161 = arith.index_cast %get3A_160 : i32 to index
      %get3A_162 = arith.index_cast %mul3A_94 : i32 to index
      %get3A_163 = tpu.vector_load %arg14[%get3A_161, %get3A_162] {strides = array<i32>} : memref<64x512xf32, #tpu.memory_space<vmem>>, vector<16xf32>,
      %mul3A_164 = arith.mulf %get3A_163, %get3A_159 : vector<16xf32>
      %add3A_165 = arith.addf %add3A_151, %mul3A_164 : vector<16xf32>
      %get3A_166 = arith.constant 36 : i32
      %get3A_167 = arith.index_cast %get3A_166 : i32 to index
      %get3A_168 = arith.index_cast %add3A_98 : i32 to index
      %get3A_169 = tpu.vector_load %arg14[%get3A_167, %get3A_168] {strides = array<i32>} : memref<64x512xf32, #tpu.memory_space<vmem>>, vector<16xf32>,
      %mul3A_170 = arith.mulf %get3A_169, %get3A_159 : vector<16xf32>
      %add3A_171 = arith.addf %add3A_157, %mul3A_170 : vector<16xf32>
      %get3A_172 = arith.constant 592 : index
      %get3A_173 = tpu.vector_load %arg15[%get3A_172] {strides = array<i32>} : memref<1024xf32, #tpu.memory_space<vmem>>, vector<16xf32>,
      %get3A_174 = arith.constant 37 : i32
      %get3A_175 = arith.index_cast %get3A_174 : i32 to index
      %get3A_176 = arith.index_cast %mul3A_94 : i32 to index
      %get3A_177 = tpu.vector_load %arg14[%get3A_175, %get3A_176] {strides = array<i32>} : memref<64x512xf32, #tpu.memory_space<vmem>>, vector<16xf32>,
      %mul3A_178 = arith.mulf %get3A_177, %get3A_173 : vector<16xf32>
      %add3A_179 = arith.addf %add3A_165, %mul3A_178 : vector<16xf32>
      %get3A_180 = arith.constant 37 : i32
      %get3A_181 = arith.index_cast %get3A_180 : i32 to index
      %get3A_182 = arith.index_cast %add3A_98 : i32 to index
      %get3A_183 = tpu.vector_load %arg14[%get3A_181, %get3A_182] {strides = array<i32>} : memref<64x512xf32, #tpu.memory_space<vmem>>, vector<16xf32>,
      %mul3A_184 = arith.mulf %get3A_183, %get3A_173 : vector<16xf32>
      %add3A_185 = arith.addf %add3A_171, %mul3A_184 : vector<16xf32>
      %get3A_186 = arith.constant 608 : index
      %get3A_187 = tpu.vector_load %arg15[%get3A_186] {strides = array<i32>} : memref<1024xf32, #tpu.memory_space<vmem>>, vector<16xf32>,
      %get3A_188 = arith.constant 38 : i32
      %get3A_189 = arith.index_cast %get3A_188 : i32 to index
      %get3A_190 = arith.index_cast %mul3A_94 : i32 to index
      %get3A_191 = tpu.vector_load %arg14[%get3A_189, %get3A_190] {strides = array<i32>} : memref<64x512xf32, #tpu.memory_space<vmem>>, vector<16xf32>,
      %mul3A_192 = arith.mulf %get3A_191, %get3A_187 : vector<16xf32>
      %add3A_193 = arith.addf %add3A_179, %mul3A_192 : vector<16xf32>
      %get3A_194 = arith.constant 38 : i32
      %get3A_195 = arith.index_cast %get3A_194 : i32 to index
      %get3A_196 = arith.index_cast %add3A_98 : i32 to index
      %get3A_197 = tpu.vector_load %arg14[%get3A_195, %get3A_196] {strides = array<i32>} : memref<64x512xf32, #tpu.memory_space<vmem>>, vector<16xf32>,
      %mul3A_198 = arith.mulf %get3A_197, %get3A_187 : vector<16xf32>
      %add3A_199 = arith.addf %add3A_185, %mul3A_198 : vector<16xf32>
      %get3A_200 = arith.constant 624 : index
      %get3A_201 = tpu.vector_load %arg15[%get3A_200] {strides = array<i32>} : memref<1024xf32, #tpu.memory_space<vmem>>, vector<16xf32>,
      %get3A_202 = arith.constant 39 : i32
      %get3A_203 = arith.index_cast %get3A_202 : i32 to index
      %get3A_204 = arith.index_cast %mul3A_94 : i32 to index
      %get3A_205 = tpu.vector_load %arg14[%get3A_203, %get3A_204] {strides = array<i32>} : memref<64x512xf32, #tpu.memory_space<vmem>>, vector<16xf32>,
      %mul3A_206 = arith.mulf %get3A_205, %get3A_201 : vector<16xf32>
      %add3A_207 = arith.addf %add3A_193, %mul3A_206 : vector<16xf32>
      %get3A_208 = arith.constant 39 : i32
      %get3A_209 = arith.index_cast %get3A_208 : i32 to index
      %get3A_210 = arith.index_cast %add3A_98 : i32 to index
      %get3A_211 = tpu.vector_load %arg14[%get3A_209, %get3A_210] {strides = array<i32>} : memref<64x512xf32, #tpu.memory_space<vmem>>, vector<16xf32>,
      %mul3A_212 = arith.mulf %get3A_211, %get3A_201 : vector<16xf32>
      %add3A_213 = arith.addf %add3A_199, %mul3A_212 : vector<16xf32>
      %get3A_214 = arith.constant 640 : index
      %get3A_215 = tpu.vector_load %arg15[%get3A_214] {strides = array<i32>} : memref<1024xf32, #tpu.memory_space<vmem>>, vector<16xf32>,
      %get3A_216 = arith.constant 40 : i32
      %get3A_217 = arith.index_cast %get3A_216 : i32 to index
      %get3A_218 = arith.index_cast %mul3A_94 : i32 to index
      %get3A_219 = tpu.vector_load %arg14[%get3A_217, %get3A_218] {strides = array<i32>} : memref<64x512xf32, #tpu.memory_space<vmem>>, vector<16xf32>,
      %mul3A_220 = arith.mulf %get3A_219, %get3A_215 : vector<16xf32>
      %add3A_221 = arith.addf %add3A_207, %mul3A_220 : vector<16xf32>
      %get3A_222 = arith.constant 40 : i32
      %get3A_223 = arith.index_cast %get3A_222 : i32 to index
      %get3A_224 = arith.index_cast %add3A_98 : i32 to index
      %get3A_225 = tpu.vector_load %arg14[%get3A_223, %get3A_224] {strides = array<i32>} : memref<64x512xf32, #tpu.memory_space<vmem>>, vector<16xf32>,
      %mul3A_226 = arith.mulf %get3A_225, %get3A_215 : vector<16xf32>
      %add3A_227 = arith.addf %add3A_213, %mul3A_226 : vector<16xf32>
      %get3A_228 = arith.constant 656 : index
      %get3A_229 = tpu.vector_load %arg15[%get3A_228] {strides = array<i32>} : memref<1024xf32, #tpu.memory_space<vmem>>, vector<16xf32>,
      %get3A_230 = arith.constant 41 : i32
      %get3A_231 = arith.index_cast %get3A_230 : i32 to index
      %get3A_232 = arith.index_cast %mul3A_94 : i32 to index
      %get3A_233 = tpu.vector_load %arg14[%get3A_231, %get3A_232] {strides = array<i32>} : memref<64x512xf32, #tpu.memory_space<vmem>>, vector<16xf32>,
      %mul3A_234 = arith.mulf %get3A_233, %get3A_229 : vector<16xf32>
      %add3A_235 = arith.addf %add3A_221, %mul3A_234 : vector<16xf32>
      %get3A_236 = arith.constant 41 : i32
      %get3A_237 = arith.index_cast %get3A_236 : i32 to index
      %get3A_238 = arith.index_cast %add3A_98 : i32 to index
      %get3A_239 = tpu.vector_load %arg14[%get3A_237, %get3A_238] {strides = array<i32>} : memref<64x512xf32, #tpu.memory_space<vmem>>, vector<16xf32>,
      %mul3A_240 = arith.mulf %get3A_239, %get3A_229 : vector<16xf32>
      %add3A_241 = arith.addf %add3A_227, %mul3A_240 : vector<16xf32>
      %get3A_242 = arith.constant 672 : index
      %get3A_243 = tpu.vector_load %arg15[%get3A_242] {strides = array<i32>} : memref<1024xf32, #tpu.memory_space<vmem>>, vector<16xf32>,
      %get3A_244 = arith.constant 42 : i32
      %get3A_245 = arith.index_cast %get3A_244 : i32 to index
      %get3A_246 = arith.index_cast %mul3A_94 : i32 to index
      %get3A_247 = tpu.vector_load %arg14[%get3A_245, %get3A_246] {strides = array<i32>} : memref<64x512xf32, #tpu.memory_space<vmem>>, vector<16xf32>,
      %mul3A_248 = arith.mulf %get3A_247, %get3A_243 : vector<16xf32>
      %add3A_249 = arith.addf %add3A_235, %mul3A_248 : vector<16xf32>
      %get3A_250 = arith.constant 42 : i32
      %get3A_251 = arith.index_cast %get3A_250 : i32 to index
      %get3A_252 = arith.index_cast %add3A_98 : i32 to index
      %get3A_253 = tpu.vector_load %arg14[%get3A_251, %get3A_252] {strides = array<i32>} : memref<64x512xf32, #tpu.memory_space<vmem>>, vector<16xf32>,
      %mul3A_254 = arith.mulf %get3A_253, %get3A_243 : vector<16xf32>
      %add3A_255 = arith.addf %add3A_241, %mul3A_254 : vector<16xf32>
      %get3A_256 = arith.constant 688 : index
      %get3A_257 = tpu.vector_load %arg15[%get3A_256] {strides = array<i32>} : memref<1024xf32, #tpu.memory_space<vmem>>, vector<16xf32>,
      %get3A_258 = arith.constant 43 : i32
      %get3A_259 = arith.index_cast %get3A_258 : i32 to index
      %get3A_260 = arith.index_cast %mul3A_94 : i32 to index
      %get3A_261 = tpu.vector_load %arg14[%get3A_259, %get3A_260] {strides = array<i32>} : memref<64x512xf32, #tpu.memory_space<vmem>>, vector<16xf32>,
      %mul3A_262 = arith.mulf %get3A_261, %get3A_257 : vector<16xf32>
      %add3A_263 = arith.addf %add3A_249, %mul3A_262 : vector<16xf32>
      %get3A_264 = arith.constant 43 : i32
      %get3A_265 = arith.index_cast %get3A_264 : i32 to index
      %get3A_266 = arith.index_cast %add3A_98 : i32 to index
      %get3A_267 = tpu.vector_load %arg14[%get3A_265, %get3A_266] {strides = array<i32>} : memref<64x512xf32, #tpu.memory_space<vmem>>, vector<16xf32>,
      %mul3A_268 = arith.mulf %get3A_267, %get3A_257 : vector<16xf32>
      %add3A_269 = arith.addf %add3A_255, %mul3A_268 : vector<16xf32>
      %get3A_270 = arith.constant 704 : index
      %get3A_271 = tpu.vector_load %arg15[%get3A_270] {strides = array<i32>} : memref<1024xf32, #tpu.memory_space<vmem>>, vector<16xf32>,
      %get3A_272 = arith.constant 44 : i32
      %get3A_273 = arith.index_cast %get3A_272 : i32 to index
      %get3A_274 = arith.index_cast %mul3A_94 : i32 to index
      %get3A_275 = tpu.vector_load %arg14[%get3A_273, %get3A_274] {strides = array<i32>} : memref<64x512xf32, #tpu.memory_space<vmem>>, vector<16xf32>,
      %mul3A_276 = arith.mulf %get3A_275, %get3A_271 : vector<16xf32>
      %add3A_277 = arith.addf %add3A_263, %mul3A_276 : vector<16xf32>
      %get3A_278 = arith.constant 44 : i32
      %get3A_279 = arith.index_cast %get3A_278 : i32 to index
      %get3A_280 = arith.index_cast %add3A_98 : i32 to index
      %get3A_281 = tpu.vector_load %arg14[%get3A_279, %get3A_280] {strides = array<i32>} : memref<64x512xf32, #tpu.memory_space<vmem>>, vector<16xf32>,
      %mul3A_282 = arith.mulf %get3A_281, %get3A_271 : vector<16xf32>
      %add3A_283 = arith.addf %add3A_269, %mul3A_282 : vector<16xf32>
      %get3A_284 = arith.constant 720 : index
      %get3A_285 = tpu.vector_load %arg15[%get3A_284] {strides = array<i32>} : memref<1024xf32, #tpu.memory_space<vmem>>, vector<16xf32>,
      %get3A_286 = arith.constant 45 : i32
      %get3A_287 = arith.index_cast %get3A_286 : i32 to index
      %get3A_288 = arith.index_cast %mul3A_94 : i32 to index
      %get3A_289 = tpu.vector_load %arg14[%get3A_287, %get3A_288] {strides = array<i32>} : memref<64x512xf32, #tpu.memory_space<vmem>>, vector<16xf32>,
      %mul3A_290 = arith.mulf %get3A_289, %get3A_285 : vector<16xf32>
      %add3A_291 = arith.addf %add3A_277, %mul3A_290 : vector<16xf32>
      %get3A_292 = arith.constant 45 : i32
      %get3A_293 = arith.index_cast %get3A_292 : i32 to index
      %get3A_294 = arith.index_cast %add3A_98 : i32 to index
      %get3A_295 = tpu.vector_load %arg14[%get3A_293, %get3A_294] {strides = array<i32>} : memref<64x512xf32, #tpu.memory_space<vmem>>, vector<16xf32>,
      %mul3A_296 = arith.mulf %get3A_295, %get3A_285 : vector<16xf32>
      %add3A_297 = arith.addf %add3A_283, %mul3A_296 : vector<16xf32>
      %get3A_298 = arith.constant 736 : index
      %get3A_299 = tpu.vector_load %arg15[%get3A_298] {strides = array<i32>} : memref<1024xf32, #tpu.memory_space<vmem>>, vector<16xf32>,
      %get3A_300 = arith.constant 46 : i32
      %get3A_301 = arith.index_cast %get3A_300 : i32 to index
      %get3A_302 = arith.index_cast %mul3A_94 : i32 to index
      %get3A_303 = tpu.vector_load %arg14[%get3A_301, %get3A_302] {strides = array<i32>} : memref<64x512xf32, #tpu.memory_space<vmem>>, vector<16xf32>,
      %mul3A_304 = arith.mulf %get3A_303, %get3A_299 : vector<16xf32>
      %add3A_305 = arith.addf %add3A_291, %mul3A_304 : vector<16xf32>
      %get3A_306 = arith.constant 46 : i32
      %get3A_307 = arith.index_cast %get3A_306 : i32 to index
      %get3A_308 = arith.index_cast %add3A_98 : i32 to index
      %get3A_309 = tpu.vector_load %arg14[%get3A_307, %get3A_308] {strides = array<i32>} : memref<64x512xf32, #tpu.memory_space<vmem>>, vector<16xf32>,
      %mul3A_310 = arith.mulf %get3A_309, %get3A_299 : vector<16xf32>
      %add3A_311 = arith.addf %add3A_297, %mul3A_310 : vector<16xf32>
      %get3A_312 = arith.constant 752 : index
      %get3A_313 = tpu.vector_load %arg15[%get3A_312] {strides = array<i32>} : memref<1024xf32, #tpu.memory_space<vmem>>, vector<16xf32>,
      %get3A_314 = arith.constant 47 : i32
      %get3A_315 = arith.index_cast %get3A_314 : i32 to index
      %get3A_316 = arith.index_cast %mul3A_94 : i32 to index
      %get3A_317 = tpu.vector_load %arg14[%get3A_315, %get3A_316] {strides = array<i32>} : memref<64x512xf32, #tpu.memory_space<vmem>>, vector<16xf32>,
      %mul3A_318 = arith.mulf %get3A_317, %get3A_313 : vector<16xf32>
      %add3A_319 = arith.addf %add3A_305, %mul3A_318 : vector<16xf32>
      %get3A_320 = arith.constant 47 : i32
      %get3A_321 = arith.index_cast %get3A_320 : i32 to index
      %get3A_322 = arith.index_cast %add3A_98 : i32 to index
      %get3A_323 = tpu.vector_load %arg14[%get3A_321, %get3A_322] {strides = array<i32>} : memref<64x512xf32, #tpu.memory_space<vmem>>, vector<16xf32>,
      %mul3A_324 = arith.mulf %get3A_323, %get3A_313 : vector<16xf32>
      %add3A_325 = arith.addf %add3A_311, %mul3A_324 : vector<16xf32>
      %get3A_326 = arith.constant 768 : index
      %get3A_327 = tpu.vector_load %arg15[%get3A_326] {strides = array<i32>} : memref<1024xf32, #tpu.memory_space<vmem>>, vector<16xf32>,
      %get3A_328 = arith.constant 48 : i32
      %get3A_329 = arith.index_cast %get3A_328 : i32 to index
      %get3A_330 = arith.index_cast %mul3A_94 : i32 to index
      %get3A_331 = tpu.vector_load %arg14[%get3A_329, %get3A_330] {strides = array<i32>} : memref<64x512xf32, #tpu.memory_space<vmem>>, vector<16xf32>,
      %mul3A_332 = arith.mulf %get3A_331, %get3A_327 : vector<16xf32>
      %add3A_333 = arith.addf %add3A_319, %mul3A_332 : vector<16xf32>
      %get3A_334 = arith.constant 48 : i32
      %get3A_335 = arith.index_cast %get3A_334 : i32 to index
      %get3A_336 = arith.index_cast %add3A_98 : i32 to index
      %get3A_337 = tpu.vector_load %arg14[%get3A_335, %get3A_336] {strides = array<i32>} : memref<64x512xf32, #tpu.memory_space<vmem>>, vector<16xf32>,
      %mul3A_338 = arith.mulf %get3A_337, %get3A_327 : vector<16xf32>
      %add3A_339 = arith.addf %add3A_325, %mul3A_338 : vector<16xf32>
      %get3A_340 = arith.constant 784 : index
      %get3A_341 = tpu.vector_load %arg15[%get3A_340] {strides = array<i32>} : memref<1024xf32, #tpu.memory_space<vmem>>, vector<16xf32>,
      %get3A_342 = arith.constant 49 : i32
      %get3A_343 = arith.index_cast %get3A_342 : i32 to index
      %get3A_344 = arith.index_cast %mul3A_94 : i32 to index
      %get3A_345 = tpu.vector_load %arg14[%get3A_343, %get3A_344] {strides = array<i32>} : memref<64x512xf32, #tpu.memory_space<vmem>>, vector<16xf32>,
      %mul3A_346 = arith.mulf %get3A_345, %get3A_341 : vector<16xf32>
      %add3A_347 = arith.addf %add3A_333, %mul3A_346 : vector<16xf32>
      %get3A_348 = arith.constant 49 : i32
      %get3A_349 = arith.index_cast %get3A_348 : i32 to index
      %get3A_350 = arith.index_cast %add3A_98 : i32 to index
      %get3A_351 = tpu.vector_load %arg14[%get3A_349, %get3A_350] {strides = array<i32>} : memref<64x512xf32, #tpu.memory_space<vmem>>, vector<16xf32>,
      %mul3A_352 = arith.mulf %get3A_351, %get3A_341 : vector<16xf32>
      %add3A_353 = arith.addf %add3A_339, %mul3A_352 : vector<16xf32>
      %get3A_354 = arith.constant 800 : index
      %get3A_355 = tpu.vector_load %arg15[%get3A_354] {strides = array<i32>} : memref<1024xf32, #tpu.memory_space<vmem>>, vector<16xf32>,
      %get3A_356 = arith.constant 50 : i32
      %get3A_357 = arith.index_cast %get3A_356 : i32 to index
      %get3A_358 = arith.index_cast %mul3A_94 : i32 to index
      %get3A_359 = tpu.vector_load %arg14[%get3A_357, %get3A_358] {strides = array<i32>} : memref<64x512xf32, #tpu.memory_space<vmem>>, vector<16xf32>,
      %mul3A_360 = arith.mulf %get3A_359, %get3A_355 : vector<16xf32>
      %add3A_361 = arith.addf %add3A_347, %mul3A_360 : vector<16xf32>
      %get3A_362 = arith.constant 50 : i32
      %get3A_363 = arith.index_cast %get3A_362 : i32 to index
      %get3A_364 = arith.index_cast %add3A_98 : i32 to index
      %get3A_365 = tpu.vector_load %arg14[%get3A_363, %get3A_364] {strides = array<i32>} : memref<64x512xf32, #tpu.memory_space<vmem>>, vector<16xf32>,
      %mul3A_366 = arith.mulf %get3A_365, %get3A_355 : vector<16xf32>
      %add3A_367 = arith.addf %add3A_353, %mul3A_366 : vector<16xf32>
      %get3A_368 = arith.constant 816 : index
      %get3A_369 = tpu.vector_load %arg15[%get3A_368] {strides = array<i32>} : memref<1024xf32, #tpu.memory_space<vmem>>, vector<16xf32>,
      %get3A_370 = arith.constant 51 : i32
      %get3A_371 = arith.index_cast %get3A_370 : i32 to index
      %get3A_372 = arith.index_cast %mul3A_94 : i32 to index
      %get3A_373 = tpu.vector_load %arg14[%get3A_371, %get3A_372] {strides = array<i32>} : memref<64x512xf32, #tpu.memory_space<vmem>>, vector<16xf32>,
      %mul3A_374 = arith.mulf %get3A_373, %get3A_369 : vector<16xf32>
      %add3A_375 = arith.addf %add3A_361, %mul3A_374 : vector<16xf32>
      %get3A_376 = arith.constant 51 : i32
      %get3A_377 = arith.index_cast %get3A_376 : i32 to index
      %get3A_378 = arith.index_cast %add3A_98 : i32 to index
      %get3A_379 = tpu.vector_load %arg14[%get3A_377, %get3A_378] {strides = array<i32>} : memref<64x512xf32, #tpu.memory_space<vmem>>, vector<16xf32>,
      %mul3A_380 = arith.mulf %get3A_379, %get3A_369 : vector<16xf32>
      %add3A_381 = arith.addf %add3A_367, %mul3A_380 : vector<16xf32>
      %get3A_382 = arith.constant 832 : index
      %get3A_383 = tpu.vector_load %arg15[%get3A_382] {strides = array<i32>} : memref<1024xf32, #tpu.memory_space<vmem>>, vector<16xf32>,
      %get3A_384 = arith.constant 52 : i32
      %get3A_385 = arith.index_cast %get3A_384 : i32 to index
      %get3A_386 = arith.index_cast %mul3A_94 : i32 to index
      %get3A_387 = tpu.vector_load %arg14[%get3A_385, %get3A_386] {strides = array<i32>} : memref<64x512xf32, #tpu.memory_space<vmem>>, vector<16xf32>,
      %mul3A_388 = arith.mulf %get3A_387, %get3A_383 : vector<16xf32>
      %add3A_389 = arith.addf %add3A_375, %mul3A_388 : vector<16xf32>
      %get3A_390 = arith.constant 52 : i32
      %get3A_391 = arith.index_cast %get3A_390 : i32 to index
      %get3A_392 = arith.index_cast %add3A_98 : i32 to index
      %get3A_393 = tpu.vector_load %arg14[%get3A_391, %get3A_392] {strides = array<i32>} : memref<64x512xf32, #tpu.memory_space<vmem>>, vector<16xf32>,
      %mul3A_394 = arith.mulf %get3A_393, %get3A_383 : vector<16xf32>
      %add3A_395 = arith.addf %add3A_381, %mul3A_394 : vector<16xf32>
      %get3A_396 = arith.constant 848 : index
      %get3A_397 = tpu.vector_load %arg15[%get3A_396] {strides = array<i32>} : memref<1024xf32, #tpu.memory_space<vmem>>, vector<16xf32>,
      %get3A_398 = arith.constant 53 : i32
      %get3A_399 = arith.index_cast %get3A_398 : i32 to index
      %get3A_400 = arith.index_cast %mul3A_94 : i32 to index
      %get3A_401 = tpu.vector_load %arg14[%get3A_399, %get3A_400] {strides = array<i32>} : memref<64x512xf32, #tpu.memory_space<vmem>>, vector<16xf32>,
      %mul3A_402 = arith.mulf %get3A_401, %get3A_397 : vector<16xf32>
      %add3A_403 = arith.addf %add3A_389, %mul3A_402 : vector<16xf32>
      %get3A_404 = arith.constant 53 : i32
      %get3A_405 = arith.index_cast %get3A_404 : i32 to index
      %get3A_406 = arith.index_cast %add3A_98 : i32 to index
      %get3A_407 = tpu.vector_load %arg14[%get3A_405, %get3A_406] {strides = array<i32>} : memref<64x512xf32, #tpu.memory_space<vmem>>, vector<16xf32>,
      %mul3A_408 = arith.mulf %get3A_407, %get3A_397 : vector<16xf32>
      %add3A_409 = arith.addf %add3A_395, %mul3A_408 : vector<16xf32>
      %get3A_410 = arith.constant 864 : index
      %get3A_411 = tpu.vector_load %arg15[%get3A_410] {strides = array<i32>} : memref<1024xf32, #tpu.memory_space<vmem>>, vector<16xf32>,
      %get3A_412 = arith.constant 54 : i32
      %get3A_413 = arith.index_cast %get3A_412 : i32 to index
      %get3A_414 = arith.index_cast %mul3A_94 : i32 to index
      %get3A_415 = tpu.vector_load %arg14[%get3A_413, %get3A_414] {strides = array<i32>} : memref<64x512xf32, #tpu.memory_space<vmem>>, vector<16xf32>,
      %mul3A_416 = arith.mulf %get3A_415, %get3A_411 : vector<16xf32>
      %add3A_417 = arith.addf %add3A_403, %mul3A_416 : vector<16xf32>
      %get3A_418 = arith.constant 54 : i32
      %get3A_419 = arith.index_cast %get3A_418 : i32 to index
      %get3A_420 = arith.index_cast %add3A_98 : i32 to index
      %get3A_421 = tpu.vector_load %arg14[%get3A_419, %get3A_420] {strides = array<i32>} : memref<64x512xf32, #tpu.memory_space<vmem>>, vector<16xf32>,
      %mul3A_422 = arith.mulf %get3A_421, %get3A_411 : vector<16xf32>
      %add3A_423 = arith.addf %add3A_409, %mul3A_422 : vector<16xf32>
      %get3A_424 = arith.constant 880 : index
      %get3A_425 = tpu.vector_load %arg15[%get3A_424] {strides = array<i32>} : memref<1024xf32, #tpu.memory_space<vmem>>, vector<16xf32>,
      %get3A_426 = arith.constant 55 : i32
      %get3A_427 = arith.index_cast %get3A_426 : i32 to index
      %get3A_428 = arith.index_cast %mul3A_94 : i32 to index
      %get3A_429 = tpu.vector_load %arg14[%get3A_427, %get3A_428] {strides = array<i32>} : memref<64x512xf32, #tpu.memory_space<vmem>>, vector<16xf32>,
      %mul3A_430 = arith.mulf %get3A_429, %get3A_425 : vector<16xf32>
      %add3A_431 = arith.addf %add3A_417, %mul3A_430 : vector<16xf32>
      %get3A_432 = arith.constant 55 : i32
      %get3A_433 = arith.index_cast %get3A_432 : i32 to index
      %get3A_434 = arith.index_cast %add3A_98 : i32 to index
      %get3A_435 = tpu.vector_load %arg14[%get3A_433, %get3A_434] {strides = array<i32>} : memref<64x512xf32, #tpu.memory_space<vmem>>, vector<16xf32>,
      %mul3A_436 = arith.mulf %get3A_435, %get3A_425 : vector<16xf32>
      %add3A_437 = arith.addf %add3A_423, %mul3A_436 : vector<16xf32>
      %get3A_438 = arith.constant 896 : index
      %get3A_439 = tpu.vector_load %arg15[%get3A_438] {strides = array<i32>} : memref<1024xf32, #tpu.memory_space<vmem>>, vector<16xf32>,
      %get3A_440 = arith.constant 56 : i32
      %get3A_441 = arith.index_cast %get3A_440 : i32 to index
      %get3A_442 = arith.index_cast %mul3A_94 : i32 to index
      %get3A_443 = tpu.vector_load %arg14[%get3A_441, %get3A_442] {strides = array<i32>} : memref<64x512xf32, #tpu.memory_space<vmem>>, vector<16xf32>,
      %mul3A_444 = arith.mulf %get3A_443, %get3A_439 : vector<16xf32>
      %add3A_445 = arith.addf %add3A_431, %mul3A_444 : vector<16xf32>
      %get3A_446 = arith.constant 56 : i32
      %get3A_447 = arith.index_cast %get3A_446 : i32 to index
      %get3A_448 = arith.index_cast %add3A_98 : i32 to index
      %get3A_449 = tpu.vector_load %arg14[%get3A_447, %get3A_448] {strides = array<i32>} : memref<64x512xf32, #tpu.memory_space<vmem>>, vector<16xf32>,
      %mul3A_450 = arith.mulf %get3A_449, %get3A_439 : vector<16xf32>
      %add3A_451 = arith.addf %add3A_437, %mul3A_450 : vector<16xf32>
      %get3A_452 = arith.constant 912 : index
      %get3A_453 = tpu.vector_load %arg15[%get3A_452] {strides = array<i32>} : memref<1024xf32, #tpu.memory_space<vmem>>, vector<16xf32>,
      %get3A_454 = arith.constant 57 : i32
      %get3A_455 = arith.index_cast %get3A_454 : i32 to index
      %get3A_456 = arith.index_cast %mul3A_94 : i32 to index
      %get3A_457 = tpu.vector_load %arg14[%get3A_455, %get3A_456] {strides = array<i32>} : memref<64x512xf32, #tpu.memory_space<vmem>>, vector<16xf32>,
      %mul3A_458 = arith.mulf %get3A_457, %get3A_453 : vector<16xf32>
      %add3A_459 = arith.addf %add3A_445, %mul3A_458 : vector<16xf32>
      %get3A_460 = arith.constant 57 : i32
      %get3A_461 = arith.index_cast %get3A_460 : i32 to index
      %get3A_462 = arith.index_cast %add3A_98 : i32 to index
      %get3A_463 = tpu.vector_load %arg14[%get3A_461, %get3A_462] {strides = array<i32>} : memref<64x512xf32, #tpu.memory_space<vmem>>, vector<16xf32>,
      %mul3A_464 = arith.mulf %get3A_463, %get3A_453 : vector<16xf32>
      %add3A_465 = arith.addf %add3A_451, %mul3A_464 : vector<16xf32>
      %get3A_466 = arith.constant 928 : index
      %get3A_467 = tpu.vector_load %arg15[%get3A_466] {strides = array<i32>} : memref<1024xf32, #tpu.memory_space<vmem>>, vector<16xf32>,
      %get3A_468 = arith.constant 58 : i32
      %get3A_469 = arith.index_cast %get3A_468 : i32 to index
      %get3A_470 = arith.index_cast %mul3A_94 : i32 to index
      %get3A_471 = tpu.vector_load %arg14[%get3A_469, %get3A_470] {strides = array<i32>} : memref<64x512xf32, #tpu.memory_space<vmem>>, vector<16xf32>,
      %mul3A_472 = arith.mulf %get3A_471, %get3A_467 : vector<16xf32>
      %add3A_473 = arith.addf %add3A_459, %mul3A_472 : vector<16xf32>
      %get3A_474 = arith.constant 58 : i32
      %get3A_475 = arith.index_cast %get3A_474 : i32 to index
      %get3A_476 = arith.index_cast %add3A_98 : i32 to index
      %get3A_477 = tpu.vector_load %arg14[%get3A_475, %get3A_476] {strides = array<i32>} : memref<64x512xf32, #tpu.memory_space<vmem>>, vector<16xf32>,
      %mul3A_478 = arith.mulf %get3A_477, %get3A_467 : vector<16xf32>
      %add3A_479 = arith.addf %add3A_465, %mul3A_478 : vector<16xf32>
      %get3A_480 = arith.constant 944 : index
      %get3A_481 = tpu.vector_load %arg15[%get3A_480] {strides = array<i32>} : memref<1024xf32, #tpu.memory_space<vmem>>, vector<16xf32>,
      %get3A_482 = arith.constant 59 : i32
      %get3A_483 = arith.index_cast %get3A_482 : i32 to index
      %get3A_484 = arith.index_cast %mul3A_94 : i32 to index
      %get3A_485 = tpu.vector_load %arg14[%get3A_483, %get3A_484] {strides = array<i32>} : memref<64x512xf32, #tpu.memory_space<vmem>>, vector<16xf32>,
      %mul3A_486 = arith.mulf %get3A_485, %get3A_481 : vector<16xf32>
      %add3A_487 = arith.addf %add3A_473, %mul3A_486 : vector<16xf32>
      %get3A_488 = arith.constant 59 : i32
      %get3A_489 = arith.index_cast %get3A_488 : i32 to index
      %get3A_490 = arith.index_cast %add3A_98 : i32 to index
      %get3A_491 = tpu.vector_load %arg14[%get3A_489, %get3A_490] {strides = array<i32>} : memref<64x512xf32, #tpu.memory_space<vmem>>, vector<16xf32>,
      %mul3A_492 = arith.mulf %get3A_491, %get3A_481 : vector<16xf32>
      %add3A_493 = arith.addf %add3A_479, %mul3A_492 : vector<16xf32>
      %get3A_494 = arith.constant 960 : index
      %get3A_495 = tpu.vector_load %arg15[%get3A_494] {strides = array<i32>} : memref<1024xf32, #tpu.memory_space<vmem>>, vector<16xf32>,
      %get3A_496 = arith.constant 60 : i32
      %get3A_497 = arith.index_cast %get3A_496 : i32 to index
      %get3A_498 = arith.index_cast %mul3A_94 : i32 to index
      %get3A_499 = tpu.vector_load %arg14[%get3A_497, %get3A_498] {strides = array<i32>} : memref<64x512xf32, #tpu.memory_space<vmem>>, vector<16xf32>,
      %mul3A_500 = arith.mulf %get3A_499, %get3A_495 : vector<16xf32>
      %add3A_501 = arith.addf %add3A_487, %mul3A_500 : vector<16xf32>
      %get3A_502 = arith.constant 60 : i32
      %get3A_503 = arith.index_cast %get3A_502 : i32 to index
      %get3A_504 = arith.index_cast %add3A_98 : i32 to index
      %get3A_505 = tpu.vector_load %arg14[%get3A_503, %get3A_504] {strides = array<i32>} : memref<64x512xf32, #tpu.memory_space<vmem>>, vector<16xf32>,
      %mul3A_506 = arith.mulf %get3A_505, %get3A_495 : vector<16xf32>
      %add3A_507 = arith.addf %add3A_493, %mul3A_506 : vector<16xf32>
      %get3A_508 = arith.constant 976 : index
      %get3A_509 = tpu.vector_load %arg15[%get3A_508] {strides = array<i32>} : memref<1024xf32, #tpu.memory_space<vmem>>, vector<16xf32>,
      %get3A_510 = arith.constant 61 : i32
      %get3A_511 = arith.index_cast %get3A_510 : i32 to index
      %get3A_512 = arith.index_cast %mul3A_94 : i32 to index
      %get3A_513 = tpu.vector_load %arg14[%get3A_511, %get3A_512] {strides = array<i32>} : memref<64x512xf32, #tpu.memory_space<vmem>>, vector<16xf32>,
      %mul3A_514 = arith.mulf %get3A_513, %get3A_509 : vector<16xf32>
      %add3A_515 = arith.addf %add3A_501, %mul3A_514 : vector<16xf32>
      %get3A_516 = arith.constant 61 : i32
      %get3A_517 = arith.index_cast %get3A_516 : i32 to index
      %get3A_518 = arith.index_cast %add3A_98 : i32 to index
      %get3A_519 = tpu.vector_load %arg14[%get3A_517, %get3A_518] {strides = array<i32>} : memref<64x512xf32, #tpu.memory_space<vmem>>, vector<16xf32>,
      %mul3A_520 = arith.mulf %get3A_519, %get3A_509 : vector<16xf32>
      %add3A_521 = arith.addf %add3A_507, %mul3A_520 : vector<16xf32>
      %get3A_522 = arith.constant 992 : index
      %get3A_523 = tpu.vector_load %arg15[%get3A_522] {strides = array<i32>} : memref<1024xf32, #tpu.memory_space<vmem>>, vector<16xf32>,
      %get3A_524 = arith.constant 62 : i32
      %get3A_525 = arith.index_cast %get3A_524 : i32 to index
      %get3A_526 = arith.index_cast %mul3A_94 : i32 to index
      %get3A_527 = tpu.vector_load %arg14[%get3A_525, %get3A_526] {strides = array<i32>} : memref<64x512xf32, #tpu.memory_space<vmem>>, vector<16xf32>,
      %mul3A_528 = arith.mulf %get3A_527, %get3A_523 : vector<16xf32>
      %add3A_529 = arith.addf %add3A_515, %mul3A_528 : vector<16xf32>
      %get3A_530 = arith.constant 62 : i32
      %get3A_531 = arith.index_cast %get3A_530 : i32 to index
      %get3A_532 = arith.index_cast %add3A_98 : i32 to index
      %get3A_533 = tpu.vector_load %arg14[%get3A_531, %get3A_532] {strides = array<i32>} : memref<64x512xf32, #tpu.memory_space<vmem>>, vector<16xf32>,
      %mul3A_534 = arith.mulf %get3A_533, %get3A_523 : vector<16xf32>
      %add3A_535 = arith.addf %add3A_521, %mul3A_534 : vector<16xf32>
      %get3A_536 = arith.constant 1008 : index
      %get3A_537 = tpu.vector_load %arg15[%get3A_536] {strides = array<i32>} : memref<1024xf32, #tpu.memory_space<vmem>>, vector<16xf32>,
      %get3A_538 = arith.constant 63 : i32
      %get3A_539 = arith.index_cast %get3A_538 : i32 to index
      %get3A_540 = arith.index_cast %mul3A_94 : i32 to index
      %get3A_541 = tpu.vector_load %arg14[%get3A_539, %get3A_540] {strides = array<i32>} : memref<64x512xf32, #tpu.memory_space<vmem>>, vector<16xf32>,
      %mul3A_542 = arith.mulf %get3A_541, %get3A_537 : vector<16xf32>
      %add3A_543 = arith.addf %add3A_529, %mul3A_542 : vector<16xf32>
      %get3A_544 = arith.constant 63 : i32
      %get3A_545 = arith.index_cast %get3A_544 : i32 to index
      %get3A_546 = arith.index_cast %add3A_98 : i32 to index
      %get3A_547 = tpu.vector_load %arg14[%get3A_545, %get3A_546] {strides = array<i32>} : memref<64x512xf32, #tpu.memory_space<vmem>>, vector<16xf32>,
      %mul3A_548 = arith.mulf %get3A_547, %get3A_537 : vector<16xf32>
      %add3A_549 = arith.addf %add3A_535, %mul3A_548 : vector<16xf32>
      %swap3A = arith.index_cast %mul3A_94 : i32 to index
      %swap3A_550 = tpu.vector_load %arg16[%swap3A] {strides = array<i32>} : memref<512xf32, #tpu.memory_space<vmem>>, vector<16xf32>,
      tpu.vector_store %arg16[%swap3A], %add3A_543 {strides = array<i32>} : memref<512xf32, #tpu.memory_space<vmem>>, vector<16xf32>,
      %swap3A_551 = arith.index_cast %add3A_98 : i32 to index
      %swap3A_552 = tpu.vector_load %arg16[%swap3A_551] {strides = array<i32>} : memref<512xf32, #tpu.memory_space<vmem>>, vector<16xf32>,
      tpu.vector_store %arg16[%swap3A_551], %add3A_549 {strides = array<i32>} : memref<512xf32, #tpu.memory_space<vmem>>, vector<16xf32>,
    }
    %scan3A_77 = arith.constant 16 : i32
    %dma_wait3A_78 = arith.constant 0 : i32
    %dma_wait3A_79 = tpu.memref_slice %arg7[%dma_wait3A_78] : memref<100000xf32, #tpu.memory_space<hbm>> -> memref<512xf32, #tpu.memory_space<hbm>>
    %dma_wait3A_80 = arith.constant 0 : i32
    %dma_wait3A_81 = tpu.memref_slice %arg7[%dma_wait3A_80] : memref<100000xf32, #tpu.memory_space<hbm>> -> memref<512xf32, #tpu.memory_space<hbm>>
    tpu.wait_dma2 semaphore(%arg22 : memref<!tpu.dma_semaphore, #tpu.memory_space<semaphore_mem>>) src(%dma_wait3A_81 : memref<512xf32, #tpu.memory_space<hbm>>) dst(%arg17 : memref<512xf32, #tpu.memory_space<vmem>>)
    %dma_wait3A_82 = arith.constant 0 : i32
    %dma_wait3A_83 = tpu.memref_slice %arg8[%dma_wait3A_82] : memref<1000000xf32, #tpu.memory_space<hbm>> -> memref<512xf32, #tpu.memory_space<hbm>>
    %dma_wait3A_84 = arith.constant 0 : i32
    %dma_wait3A_85 = tpu.memref_slice %arg8[%dma_wait3A_84] : memref<1000000xf32, #tpu.memory_space<hbm>> -> memref<512xf32, #tpu.memory_space<hbm>>
    tpu.wait_dma2 semaphore(%arg22 : memref<!tpu.dma_semaphore, #tpu.memory_space<semaphore_mem>>) src(%dma_wait3A_85 : memref<512xf32, #tpu.memory_space<hbm>>) dst(%arg18 : memref<512xf32, #tpu.memory_space<vmem>>)
    %scan3A_86 = arith.constant 0 : i32
    %scan3A_87 = arith.constant 0 : i32
    %scan3A_88 = arith.constant 32 : i32
    %scan3A_89 = arith.addi %scan3A_87, %scan3A_88 : i32
    %scan3A_90 = arith.constant 1 : i32
    scf.for %scan3A_92 = %scan3A_87 to %scan3A_89 step %scan3A_90  : i32 {
      %mul3A_93 = arith.constant 16 : i32
      %mul3A_94 = arith.muli %scan3A_92, %mul3A_93 : i32
      %get3A = arith.index_cast %mul3A_94 : i32 to index
      %get3A_95 = tpu.vector_load %arg16[%get3A] {strides = array<i32>} : memref<512xf32, #tpu.memory_space<vmem>>, vector<16xf32>,
      %get3A_96 = arith.index_cast %mul3A_94 : i32 to index
      %get3A_97 = tpu.vector_load %arg17[%get3A_96] {strides = array<i32>} : memref<512xf32, #tpu.memory_space<vmem>>, vector<16xf32>,
      %add3A_98 = arith.addf %get3A_95, %get3A_97 : vector<16xf32>
      %get3A_99 = arith.index_cast %mul3A_94 : i32 to index
      %get3A_100 = tpu.vector_load %arg18[%get3A_99] {strides = array<i32>} : memref<512xf32, #tpu.memory_space<vmem>>, vector<16xf32>,
      %add3A_101 = arith.addf %add3A_98, %get3A_100 : vector<16xf32>
      %get3A_102 = arith.index_cast %mul3A_94 : i32 to index
      %get3A_103 = tpu.vector_load %arg13[%get3A_102] {strides = array<i32>} : memref<512xi32, #tpu.memory_space<vmem>>, vector<16xi32>,
      %gather3A = tpu.vector_load_idx %arg19[%get3A_103] : memref<1024xf32, #tpu.memory_space<vmem>>[vector<16xi32>], vector<16xf32>,
      %add3A_104 = arith.addf %add3A_101, %gather3A : vector<16xf32>
      %swap3A = arith.index_cast %mul3A_94 : i32 to index
      %swap3A_105 = tpu.vector_load %arg16[%swap3A] {strides = array<i32>} : memref<512xf32, #tpu.memory_space<vmem>>, vector<16xf32>,
      tpu.vector_store %arg16[%swap3A], %add3A_104 {strides = array<i32>} : memref<512xf32, #tpu.memory_space<vmem>>, vector<16xf32>,
    }
    %scan3A_91 = arith.constant 32 : i32
    "tpu.region"() ({
      %run_scoped3A = tpu.sem_alloc : memref<!tpu.dma_semaphore, #tpu.memory_space<semaphore_mem>>
      %dma_start3A_92 = tpu.memref_slice %arg10[%mul3A_2] : memref<16384xf32, #tpu.memory_space<hbm>> -> memref<512xf32, #tpu.memory_space<hbm>>
      %dma_start3A_93 = tpu.memref_slice %arg10[%mul3A_2] : memref<16384xf32, #tpu.memory_space<hbm>> -> memref<512xf32, #tpu.memory_space<hbm>>
      tpu.enqueue_dma source(%arg16 : memref<512xf32, #tpu.memory_space<vmem>>) target(%dma_start3A_93 : memref<512xf32, #tpu.memory_space<hbm>>) target_semaphore(%run_scoped3A : memref<!tpu.dma_semaphore, #tpu.memory_space<semaphore_mem>>)
      %dma_wait3A_94 = tpu.memref_slice %arg10[%mul3A_2] : memref<16384xf32, #tpu.memory_space<hbm>> -> memref<512xf32, #tpu.memory_space<hbm>>
      %dma_wait3A_95 = tpu.memref_slice %arg10[%mul3A_2] : memref<16384xf32, #tpu.memory_space<hbm>> -> memref<512xf32, #tpu.memory_space<hbm>>
      tpu.wait_dma2 semaphore(%run_scoped3A : memref<!tpu.dma_semaphore, #tpu.memory_space<semaphore_mem>>) src(%arg16 : memref<512xf32, #tpu.memory_space<vmem>>) dst(%dma_wait3A_95 : memref<512xf32, #tpu.memory_space<hbm>>)
      tpu.yield
    }) : () -> ()
    return
  }
}

</mosaic_0001>

<sc_bundles>
// kernel: kernel.3.cloned.1.call-start
scs
__scs_entry_jumppad:
0x0: {  	(pc) =	sbr.rel $0x88, $3  }
0x1: {  	(tag) =	ssettag $0x0;
	lr =	simm.s32 $0x1  }
0x2: {  	[smem:$0x3F99] =	sst lr;
	_ =	strace $0xD0000000  }
0x3: {  	_ = 	snop  }
0x4: {  	_ = 	snop  }
0x5: {  	_ = 	snop  }
0x6: {  	_ = 	snop  }
0x7: {  	_ = 	snop  }
__scs_overlays_trampoline_lowered:
0x8: {  	[smem:$0x3FA8] =	sst s0  }
0x9: {  	[smem:$0x3FA9] =	sst s1  }
0xa: {  	[smem:$0x3FAA] =	sst s2  }
0xb: {  	[smem:$0x3FAB] =	sst s3  }
0xc: {  	[smem:$0x3FAC] =	sst s4  }
0xd: {  	[smem:$0x3FAD] =	sst s5  }
0xe: {  	[smem:$0x3FAE] =	sst s6  }
0xf: {  	[smem:$0x3FAF] =	sst s7  }
0x10: {  	[smem:$0x3FB0] =	sst s8  }
0x11: {  	[smem:$0x3FB1] =	sst s9;
	s0 =	simm.s32 @!p0 $0x0  }
0x12: {  	s1 =	sld [smem:$0x3F97];
	s0 =	simm.s32 @p0 $0x1  }
0x13: {  	[smem:$0x3FB2] =	sst s0;
	s0 =	simm.s32 @!p1 $0x0  }
0x14: {  	s2 =	sld [smem:$0x3F96];
	s0 =	simm.s32 @p1 $0x1  }
0x15: {  	[smem:$0x3FB3] =	sst s0;
	s0 =	simm.s32 @!p2 $0x0  }
0x16: {  	s3 =	sld [smem:$0x3FDB];
	s0 =	simm.s32 @p2 $0x1  }
0x17: {  	s4 =	simm.s32 $0x1BF5;
	[smem:$0x3FB5] =	sst s0  }
0x18: {  	s0 =	sld [smem:$0x3F98];
	_ =	swait.ge [sflag:s4], $0x0  }
0x19: {  	s7 =	sld [smem:$0x3F99]  }
0x1a: {  	s8 =	sadd.s32 $0xFFFFE003, lr  }
0x1b: {  	s9 =	sadd.s32 $0xFFFFFEF7, lr;
	s5 =	simm.s32 $0xFFFFFFFF;
	p2 =	slt.u32 s8, $0xFFFFF086  }
0x1c: {  	p1 =	slt.u32 s9, $0xF7A;
	s5 =	simm.s32 @!p2 $0x0  }
0x1d: {  	s5 =	simm.s32 @p1 $0x1;
	p0 =	seq.s32 s7, s2  }
0x1e: {  	s7 =	smul.u32 @!p0 $0xF7A, s2;
	p2 =	seq.s32 @!p0 s5, $0x0  }
0x1f: {  	s9 =	smul.u32 $0xF7A, s1;
	s8 =	simm.s32 @!p0 $0x1BF5;
	p2 =	por !p2, p0  }
0x20: {  	[sflag:s8] =	ssyncset.s32 @!p0 $0xFFFFF086;
	s6 =	sadd.s32 @!p0 s3, s7;
	s7 =	simm.s32 @!p0 $0x108  }
0x21: {  	s3 =	sadd.s32 s3, s9;
	s6 =	sadd.s32 @!p0 $0x88, s6;
	s7 =	simm.s32 @p2 $0x1082  }
0x22: {  	[simem:s7], [sflag:s8] =	dma.local @!p0 [hbm:s6], $0xF7A  }
0x23: {  	s9 =	sor.u32 $0xD0000000, s2;
	s6 =	simm.s32 $0x108;
	_ =	swait.ge @!p0 [sflag:s8], $0x0  }
0x24: {  	s3 =	sadd.s32 $0x88, s3;
	s6 =	simm.s32 @!p1 $0x1082;
	[sflag:s4] =	ssyncset.s32 $0xFFFFF086  }
0x25: {  	[simem:s6], [sflag:s4] =	dma.local [hbm:s3], $0xF7A  }
0x26: {  	[smem:$0x3F99] =	sst s1;
	(tag) =	ssettag s2;
	_ =	strace s9  }
0x27: {  	s1 =	sld [smem:$0x3FA9]  }
0x28: {  	s2 =	sld [smem:$0x3FAA]  }
0x29: {  	s4 =	sld [smem:$0x3FAC]  }
0x2a: {  	p0 =	seq.s32 s5, $0x0;
	s5 =	sld [smem:$0x3FAD]  }
0x2b: {  	s6 =	sld [smem:$0x3FAE]  }
0x2c: {  	s7 =	sld [smem:$0x3FAF]  }
0x2d: {  	s3 =	simm.s32 $0x108;
	s8 =	sld [smem:$0x3FB0]  }
0x2e: {  	s3 =	simm.s32 @!p0 $0x1082;
	s9 =	sld [smem:$0x3FB1]  }
0x2f: {  	lr =	sadd.s32 s0, s3;
	s0 =	sld [smem:$0x3FA8]  }
0x30: {  	s3 =	sld [smem:$0x3FAB]  }
0x31: {  	[smem:$0x3FB4] =	sst s10  }
0x32: {  	s10 =	sld [smem:$0x3FB2];
	_ =	sdelay $0x3  }
0x33: {  	p0 =	seq.s32 s10, $0x1;
	s10 =	sld [smem:$0x3FB4];
	_ =	sdelay $0x3  }
0x34: {  	[smem:$0x3FB4] =	sst s10  }
0x35: {  	s10 =	sld [smem:$0x3FB3];
	_ =	sdelay $0x3  }
0x36: {  	p1 =	seq.s32 s10, $0x1;
	s10 =	sld [smem:$0x3FB4];
	_ =	sdelay $0x3  }
0x37: {  	[smem:$0x3FB4] =	sst s10  }
0x38: {  	s10 =	sld [smem:$0x3FB5]  }
0x39: {  	_ = 	snop;
	(pc) =	sbr.ind lr, $3  }
0x3a: {  	_ = 	snop  }
0x3b: {  	_ = 	snop  }
0x3c: {  	p2 =	seq.s32 s10, $0x1;
	s10 =	sld [smem:$0x3FB4]  }
0x3d: {  	_ =	shalt  }
0x3e: {  	_ =	shalt  }
0x3f: {  	_ =	shalt  }
0x40: {  	_ =	shalt  }
0x41: {  	_ =	shalt  }
0x42: {  	_ =	shalt  }
0x43: {  	_ =	shalt  }
0x44: {  	_ =	shalt  }
0x45: {  	_ =	shalt  }
0x46: {  	_ =	shalt  }
0x47: {  	_ =	shalt  }
0x48: {  	_ =	shalt  }
0x49: {  	_ =	shalt  }
0x4a: {  	_ =	shalt  }
0x4b: {  	_ =	shalt  }
0x4c: {  	_ =	shalt  }
0x4d: {  	_ =	shalt  }
0x4e: {  	_ =	shalt  }
0x4f: {  	_ =	shalt  }
0x50: {  	_ =	shalt  }
0x51: {  	_ =	shalt  }
0x52: {  	_ =	shalt  }
0x53: {  	_ =	shalt  }
0x54: {  	_ =	shalt  }
0x55: {  	_ =	shalt  }
0x56: {  	_ =	shalt  }
0x57: {  	_ =	shalt  }
0x58: {  	_ =	shalt  }
0x59: {  	_ =	shalt  }
0x5a: {  	_ =	shalt  }
0x5b: {  	_ =	shalt  }
0x5c: {  	_ =	shalt  }
0x5d: {  	_ =	shalt  }
0x5e: {  	_ =	shalt  }
0x5f: {  	_ =	shalt  }
0x60: {  	_ =	shalt  }
0x61: {  	_ =	shalt  }
0x62: {  	_ =	shalt  }
0x63: {  	_ =	shalt  }
0x64: {  	_ =	shalt  }
0x65: {  	_ =	shalt  }
0x66: {  	_ =	shalt  }
0x67: {  	_ =	shalt  }
0x68: {  	_ =	shalt  }
0x69: {  	_ =	shalt  }
0x6a: {  	_ =	shalt  }
0x6b: {  	_ =	shalt  }
0x6c: {  	_ =	shalt  }
0x6d: {  	_ =	shalt  }
0x6e: {  	_ =	shalt  }
0x6f: {  	_ =	shalt  }
0x70: {  	_ =	shalt  }
0x71: {  	_ =	shalt  }
0x72: {  	_ =	shalt  }
0x73: {  	_ =	shalt  }
0x74: {  	_ =	shalt  }
0x75: {  	_ =	shalt  }
0x76: {  	_ =	shalt  }
0x77: {  	_ =	shalt  }
0x78: {  	_ =	shalt  }
0x79: {  	_ =	shalt  }
0x7a: {  	_ =	shalt  }
0x7b: {  	_ =	shalt  }
0x7c: {  	_ =	shalt  }
0x7d: {  	_ =	shalt  }
0x7e: {  	_ =	shalt  }
0x7f: {  	_ =	shalt  }
0x80: {  	_ =	shalt  }
0x81: {  	_ =	shalt  }
0x82: {  	_ =	shalt  }
0x83: {  	_ =	shalt  }
0x84: {  	_ =	shalt  }
0x85: {  	_ =	shalt  }
0x86: {  	_ =	shalt  }
0x87: {  	_ =	shalt  }
.Lfunc_end0:
.L_simem_size_0:
called_computation_lowered:
.L_overlay_start_0:
0x88: {  	s2 =	sld [smem:$0x3FD9]  }
0x89: {  	s3 =	sld [smem:$0x3FFE];
	_ =	sdelay $0x1  }
0x8a: {  	s1 =	srdreg.scid  }
0x8b: {  	s0 =	sand.u32 $0x1, s1  }
0x8c: {  	s17 =	sshll.u32 s0, $0xA;
	s2 =	sadd.s32 s3, s2  }
0x8d: {  	s2 =	sadd.s32 s2, s17  }
0x8e: {  	[smem:$0x3FC0] =	sst s2  }
0x8f: {  	_ = 	snop  }
0x90: {  	s2 =	sld [smem:$0x3FC9]  }
0x91: {  	s18 =	sld [smem:$0x3FC8]  }
0x92: {  	s4 =	sld [smem:$0x3FC7]  }
0x93: {  	s5 =	sld [smem:$0x3FC6]  }
0x94: {  	s6 =	sld [smem:$0x3FC4]  }
0x95: {  	s7 =	sld [smem:$0x3FC3]  }
0x96: {  	s8 =	sld [smem:$0x3FC2]  }
0x97: {  	s9 =	sld [smem:$0x3FD0];
	(tm) =	ssettm $0x1  }
0x98: {  	s10 =	sld [smem:$0x3FFB];
	_ =	sdelay $0x3  }
0x99: {  	_ =	strace s10  }
0x9a: {  	s10 =	sld [smem:$0x3FFC];
	_ =	sdelay $0x3  }
0x9b: {  	_ =	strace s10  }
0x9c: {  	s10 =	sld [smem:$0x3FFD];
	_ =	sdelay $0x3  }
0x9d: {  	_ =	strace s10  }
0x9e: {  	_ =	strace $0x8FFFFFFF  }
0x9f: {  	s19 =	sld [smem:$0x3FDB];
	_ =	sdelay $0x1  }
0xa0: {  	s11 =	simm.s32 $_scs_section_size  }
0xa1: {  	s12 =	simm.s32 $_size__tile_overlayer_lowered;
	s13 =	simm.s32 $_tile_overlayer_lowered  }
0xa2: {  	s22 =	simm.s32 $0x1BFF;
	s21 =	sshll.u32 s13, $0x1;
	s10 =	sadd.s32 s11, s19  }
0xa3: {  	s14 =	simm.s32 $0x0;
	s20 =	sshll.u32 s12, $0x1;
	s12 =	sadd.s32 s21, s10  }
0xa4: {  	[timem:s14], [sflag:s22] =	dma.local [hbm:s12], s20  }
0xa5: {  	_ =	swait.ge [sflag:s22], s20  }
0xa6: {  	s11 =	ssub.s32 $0x0, s20;
	[sflag:s22] =	ssyncset.done $0x0  }
0xa7: {  	[sflag:s22] =	ssyncadd.s32 s11;
	_ =	sdelay $0x1  }
0xa8: {  	s23 =	simm.s32 $0x1B8B  }
0xa9: {  	_ =	swait.ge [sflag:s23], $0x1  }
0xaa: {  	[sflag:s23] =	ssyncset.done $0x0  }
0xab: {  	s25 =	simm.s32 $0x1B8E;
	s24 =	sld [smem:$0x3FFE];
	[sflag:s23] =	ssyncadd.s32 $0xFFFFFFFF  }
0xac: {  	s26 =	simm.s32 $execute0_lowered;
	[smem:$0x3FD2] =	sst s25  }
0xad: {  	s12 =	sshll.u32 s26, $0x1;
	_ =	strace $0x80000046;
	[dreg:$0x1] =	wrdreg $0xFFFFFFFF  }
0xae: {  	s28 =	simm.s32 $_size_execute0_lowered;
	s10 =	sadd.s32 s10, s12;
	[dreg:$0x0] =	wrdreg $0x0  }
0xaf: {  	s12 =	sshll.u32 s28, $0x1;
	[dreg:$0x2] =	wrdreg s10  }
0xb0: {  	[dreg:$0x3] =	wrdreg s12  }
0xb1: {  	[dreg:$0x4] =	wrdreg $0xC0  }
0xb2: {  	_ =	task [dreg:s14], $0x5FFFF  }
0xb3: {  	[dreg:$0x1] =	wrdreg $0xFFFFFFFF  }
0xb4: {  	[dreg:$0x0] =	wrdreg $0x60  }
0xb5: {  	[dreg:$0x2] =	wrdreg s2  }
0xb6: {  	[dreg:$0x3] =	wrdreg s18  }
0xb7: {  	[dreg:$0x4] =	wrdreg s4  }
0xb8: {  	[dreg:$0x5] =	wrdreg s5  }
0xb9: {  	[dreg:$0x6] =	wrdreg s24  }
0xba: {  	[dreg:$0x7] =	wrdreg s6  }
0xbb: {  	[dreg:$0x8] =	wrdreg s7  }
0xbc: {  	[dreg:$0x9] =	wrdreg s8  }
0xbd: {  	[dreg:$0xa] =	wrdreg s9  }
0xbe: {  	[dreg:$0xb] =	wrdreg $0x9  }
0xbf: {  	_ =	task.clear_ibuf [dreg:s14], $0xCFFFF;
	_ =	strace $0x90000046  }
0xc0: {  	s29 =	simm.s32 $0x9;
	_ =	strace $0x80000048  }
0xc1: {  	_ =	swait.ge [sflag:s29], $0x1  }
0xc2: {  	[sflag:s29] =	ssyncadd.s32 $0xFFFFFFFF  }
0xc3: {  	_ =	strace $0x90000048  }
0xc4: {  	_ =	sfence  }
0xc5: {  	s30 =	sld [smem:$0x0];
	_ =	sdelay $0x2  }
0xc6: {  	s31 =	sshll.u32 s1, $0xD;
	s1 =	sshrl.u32 s1, $0x2  }
0xc7: {  	s3 =	sand.u32 $0x4000, s31;
	s1 =	sadd.s32 s1, s30  }
0xc8: {  	s0 =	sor.u32 s3, s0;
	s1 =	sshll.u32 s1, $0x11  }
0xc9: {  	s0 =	sor.u32 s1, s0  }
0xca: {  	s0 =	sadd.s32 $0x8F2B, s0  }
0xcb: {  	[sflag:s0] =	ssyncadd.remote.s32 $0x1  }
0xcc: {  	_ =	sfence.sel $0xFFFF  }
0xcd: {  	[dreg:$0x0] =	wrdreg $0xFFFFFFFF;
	(pc) =	sbr.abs _section_cstart, $3  }
0xce: {  	[dreg:$0x1] =	wrdreg $0xFFFFFFFF  }
0xcf: {  	_ =	task.clear_ibuf [dreg:s14], $0x2FFFF;
	_ =	strace $0x9FFFFFFF  }
0xd0: {  	(tm) =	ssettm $0x7FFFFFFF  }
0xd1: {  	_ =	shalt  }
tec
execute0_lowered:
.L_overlay_start_1:
0x0: {  	(tag) =	ssettag $0x1  }
0x1: {  	s0 =	rddreg [dreg:$0x0]  }
0x2: {  	s1 =	rddreg [dreg:$0x1]  }
0x3: {  	s2 =	rddreg [dreg:$0x2]  }
0x4: {  	s3 =	rddreg [dreg:$0x3]  }
0x5: {  	s4 =	rddreg [dreg:$0x4]  }
0x6: {  	s5 =	rddreg [dreg:$0x8];
	s28 =	simm.s32 $0x0;
	s6 =	srdreg.scid  }
0x7: {  	s8 =	stileid.u32;
	[smem:$0x7FF] =	sst s28;
	s6 =	sand.u32 $0x1, s6  }
0x8: {  	s8 =	sshll.u32 s8, $0xA;
	s7 =	ssub.s32 $0x2, s6;
	s6 =	sshll.u32 s6, $0x9  }
0x9: {  	s4 =	sadd.s32 $0x400, s4;
	_ =	strace $0x80000047;
	s6 =	sor.u32 s6, s8  }
0xa: {  	[dreg:$0x14] =	wrdreg s4;
	s24 =	sshrl.u32 s6, $0x3;
	s0 =	sadd.s32 s0, s6  }
0xb: {  	s1 =	sadd.s32 s1, s24;
	[dreg:$0x17] =	wrdreg s0  }
0xc: {  	s25 =	sadd.s32 s2, s24;
	[dreg:$0x15] =	wrdreg s1  }
0xd: {  	s26 =	sadd.s32 s3, s24;
	[dreg:$0x16] =	wrdreg s25  }
0xe: {  	s9 =	sshrl.u32 s7, $0x1;
	s0 =	sadd.s32 $0x10000, s0;
	[dreg:$0x18] =	wrdreg s26  }
0xf: {  	s23 =	ssub.s32 s7, s9;
	s30 =	sadd.s32 s5, s24;
	[dreg:$0x19] =	wrdreg s0  }
0x10: {  	s29 =	simm.s32 $0x8A00;
	s31 =	smax.u32 s23, $0x1;
	[dreg:$0x1a] =	wrdreg s30  }
0x11: {  	s3 =	simm.s32 $0x9000;
	s2 =	simm.s32 $0x0;
	[dreg:$0x1b] =	wrdreg s31  }
.LBB2_1:
0x12: {  	[dreg:$0x1c] =	wrdreg s2  }
0x13: {  	s0 =	rddreg [dreg:$0x15]  }
0x14: {  	s5 =	rddreg [dreg:$0x16]  }
0x15: {  	[tilespmem:s28], [sflag:$0x1] =	stream.linear.gather [hbm4b:s0+s28], $0x200, $0x38;
	[tilespmem:$0x9400] =	vst v63  }
0x16: {  	s6 =	simm.s32 $0x200;
	s7 =	rddreg [dreg:$0x18]  }
0x17: {  	[tilespmem:s6], [sflag:$0x1] =	stream.linear.gather [hbm4b:s5+s28], $0x200, $0x38;
	[tilespmem:$0x9400] =	vst v63  }
0x18: {  	s1 =	simm.s32 $0x400;
	s8 =	rddreg [dreg:$0x14]  }
0x19: {  	[tilespmem:s1], [sflag:$0x1] =	stream.linear.gather [hbm4b:s7+s28], $0x200, $0x38;
	[tilespmem:$0x9400] =	vst v63  }
0x1a: {  	s9 =	simm.s32 $0x8600;
	s10 =	rddreg [dreg:$0x7]  }
0x1b: {  	[tilespmem:s9], [sflag:$0x1] =	stream.linear.gather [hbm4b:s8+s28], $0x400, $0x38;
	[tilespmem:$0x9400] =	vst v63  }
0x1c: {  	s11 =	rddreg [dreg:$0x17];
	s12 =	simm.s32 $0x1000  }
0x1d: {  	[tilespmem:s3], [sflag:$0x1] =	stream.linear.gather [hbm4b:s10+s28], $0x3E8, $0x38;
	[tilespmem:$0x9400] =	vst v63  }
0x1e: {  	s13 =	simm.s32 $0x20000;
	s4 =	simm.s32 $0x600;
	s14 =	simm.s32 $0x1  }
0x1f: {  	[tilespmem:s4], [sflag:$0x2] =	stream.strided.gather [hbm4b:s11+s12], $0x4000, s13, s12, $0x38;
	[tilespmem:$0x9400] =	vst v63  }
0x20: {  	_ =	swait.ge [sflag:s14], $0x200  }
0x21: {  	[sflag:s14] =	ssyncset.done $0x0  }
0x22: {  	[sflag:s14] =	ssyncadd.s32 $0xFFFFFE00  }
0x23: {  	_ =	swait.ge [sflag:s14], $0x200  }
0x24: {  	[sflag:s14] =	ssyncset.done $0x0  }
0x25: {  	[sflag:s14] =	ssyncadd.s32 $0xFFFFFE00  }
0x26: {  	_ =	swait.ge [sflag:s14], $0x200  }
0x27: {  	[sflag:s14] =	ssyncset.done $0x0  }
0x28: {  	[sflag:s14] =	ssyncadd.s32 $0xFFFFFE00  }
0x29: {  	_ =	swait.ge [sflag:s14], $0x400  }
0x2a: {  	[sflag:s14] =	ssyncset.done $0x0  }
0x2b: {  	[sflag:s14] =	ssyncadd.s32 $0xFFFFFC00  }
0x2c: {  	_ =	swait.ge [sflag:s14], $0x3E8  }
0x2d: {  	[sflag:s14] =	ssyncset.done $0x0  }
0x2e: {  	s16 =	simm.s32 $0x4600;
	s15 =	rddreg [dreg:$0x19];
	[sflag:s14] =	ssyncadd.s32 $0xFFFFFC18  }
0x2f: {  	[tilespmem:s16], [sflag:$0x1] =	stream.strided.gather [hbm4b:s15+s12], $0x4000, s13, s12, $0x38;
	[tilespmem:$0x9400] =	vst v63  }
0x30: {  	s17 =	simm.s32 $0x8C00;
	s3 =	simm.s32 $0x40;
	s0 =	rddreg [dreg:$0x5]  }
0x31: {  	[tilespmem:s17], [sflag:$0x3] =	stream.indirect.gather [hbm4b:s0+s3], $0x1, s28, s3, $0xb8;
	[tilespmem:$0x9400] =	vst v63  }
0x32: {  	s18 =	simm.s32 $0x8E00;
	s1 =	rddreg [dreg:$0x6]  }
0x33: {  	[tilespmem:s18], [sflag:$0x3] =	stream.indirect.gather [hbm4b:s1+s3], $0x1, s6, s3, $0xb8;
	[tilespmem:$0x9400] =	vst v63  }
0x34: {  	s19 =	simm.s32 $0x8C40  }
0x35: {  	[tilespmem:s19], [sflag:$0x3] =	stream.indirect.gather [hbm4b:s0+s3], $0x1, s3, s3, $0xb8;
	[tilespmem:$0x9400] =	vst v63  }
0x36: {  	s20 =	simm.s32 $0x240;
	s21 =	simm.s32 $0x8E40  }
0x37: {  	[tilespmem:s21], [sflag:$0x3] =	stream.indirect.gather [hbm4b:s1+s3], $0x1, s20, s3, $0xb8;
	[tilespmem:$0x9400] =	vst v63  }
0x38: {  	s22 =	simm.s32 $0x80;
	s23 =	simm.s32 $0x8C80  }
0x39: {  	[tilespmem:s23], [sflag:$0x3] =	stream.indirect.gather [hbm4b:s0+s3], $0x1, s22, s3, $0xb8;
	[tilespmem:$0x9400] =	vst v63  }
0x3a: {  	s24 =	simm.s32 $0x280;
	s25 =	simm.s32 $0x8E80  }
0x3b: {  	[tilespmem:s25], [sflag:$0x3] =	stream.indirect.gather [hbm4b:s1+s3], $0x1, s24, s3, $0xb8;
	[tilespmem:$0x9400] =	vst v63  }
0x3c: {  	s26 =	simm.s32 $0xC0;
	s30 =	simm.s32 $0x8CC0  }
0x3d: {  	[tilespmem:s30], [sflag:$0x3] =	stream.indirect.gather [hbm4b:s0+s3], $0x1, s26, s3, $0xb8;
	[tilespmem:$0x9400] =	vst v63  }
0x3e: {  	s5 =	simm.s32 $0x8EC0;
	s4 =	simm.s32 $0x2C0  }
0x3f: {  	[tilespmem:s5], [sflag:$0x3] =	stream.indirect.gather [hbm4b:s1+s3], $0x1, s4, s3, $0xb8;
	[tilespmem:$0x9400] =	vst v63  }
0x40: {  	s7 =	simm.s32 $0x8D00;
	s6 =	simm.s32 $0x100  }
0x41: {  	[tilespmem:s7], [sflag:$0x3] =	stream.indirect.gather [hbm4b:s0+s3], $0x1, s6, s3, $0xb8;
	[tilespmem:$0x9400] =	vst v63  }
0x42: {  	s8 =	simm.s32 $0x300;
	s9 =	simm.s32 $0x8F00  }
0x43: {  	[tilespmem:s9], [sflag:$0x3] =	stream.indirect.gather [hbm4b:s1+s3], $0x1, s8, s3, $0xb8;
	[tilespmem:$0x9400] =	vst v63  }
0x44: {  	s10 =	simm.s32 $0x140;
	s11 =	simm.s32 $0x8D40  }
0x45: {  	[tilespmem:s11], [sflag:$0x3] =	stream.indirect.gather [hbm4b:s0+s3], $0x1, s10, s3, $0xb8;
	[tilespmem:$0x9400] =	vst v63  }
0x46: {  	s12 =	simm.s32 $0x340;
	s13 =	simm.s32 $0x8F40  }
0x47: {  	[tilespmem:s13], [sflag:$0x3] =	stream.indirect.gather [hbm4b:s1+s3], $0x1, s12, s3, $0xb8;
	[tilespmem:$0x9400] =	vst v63  }
0x48: {  	s14 =	simm.s32 $0x180;
	s15 =	simm.s32 $0x8D80  }
0x49: {  	[tilespmem:s15], [sflag:$0x3] =	stream.indirect.gather [hbm4b:s0+s3], $0x1, s14, s3, $0xb8;
	[tilespmem:$0x9400] =	vst v63  }
0x4a: {  	s16 =	simm.s32 $0x380;
	s17 =	simm.s32 $0x8F80  }
0x4b: {  	[tilespmem:s17], [sflag:$0x3] =	stream.indirect.gather [hbm4b:s1+s3], $0x1, s16, s3, $0xb8;
	[tilespmem:$0x9400] =	vst v63  }
0x4c: {  	s18 =	simm.s32 $0x1C0;
	s19 =	simm.s32 $0x8DC0  }
0x4d: {  	[tilespmem:s19], [sflag:$0x3] =	stream.indirect.gather [hbm4b:s0+s3], $0x1, s18, s3, $0xb8;
	[tilespmem:$0x9400] =	vst v63  }
0x4e: {  	s20 =	simm.s32 $0x3C0;
	s21 =	simm.s32 $0x8FC0;
	s22 =	simm.s32 $0x2  }
0x4f: {  	[tilespmem:s21], [sflag:$0x3] =	stream.indirect.gather [hbm4b:s1+s3], $0x1, s20, s3, $0xb8;
	[tilespmem:$0x9400] =	vst v63  }
0x50: {  	s23 =	sand.u32 $0xC00, s28;
	_ =	swait.ge [sflag:s22], $0x4000  }
0x51: {  	s8 =	sand.u32 $0x60, s28;
	s0 =	sadd.s32 $0x3980, s23;
	[sflag:s22] =	ssyncset.done $0x0  }
0x52: {  	s24 =	sor.u32 s8, s0;
	s1 =	sadd.s32 $0x3900, s23;
	[sflag:s22] =	ssyncadd.s32 $0xFFFFC000  }
0x53: {  	s2 =	sadd.s32 $0x3880, s23;
	s25 =	sor.u32 s8, s1;
	v0 =	vld [tilespmem:s24+$0x0]  }
0x54: {  	s5 =	sor.u32 s8, s2;
	s3 =	sadd.s32 $0x3800, s23;
	v1 =	vld [tilespmem:s25+$0x0]  }
0x55: {  	s4 =	sadd.s32 $0x3780, s23;
	s6 =	sor.u32 s8, s3;
	v2 =	vld [tilespmem:s5+$0x0]  }
0x56: {  	s7 =	sor.u32 s8, s4;
	v3 =	vld [tilespmem:s6+$0x0]  }
0x57: {  	v4 =	vld [tilespmem:s7+$0x0]  }
0x58: {  	v33 =	vld [tilespmem:$0x8600]  }
0x59: {  	v34 =	vld [tilespmem:$0x8610]  }
0x5a: {  	v36 =	vld [tilespmem:$0x8620]  }
0x5b: {  	v38 =	vld [tilespmem:$0x8630]  }
0x5c: {  	v57 =	vld [tilespmem:$0x8640]  }
0x5d: {  	v59 =	vld [tilespmem:$0x8650]  }
0x5e: {  	v61 =	vld [tilespmem:$0x8660]  }
0x5f: {  	s5 =	sadd.s32 $0x3700, s23;
	v62 =	vld [tilespmem:$0x8670]  }
0x60: {  	s6 =	sadd.s32 $0x3680, s23;
	v63 =	vld [tilespmem:$0x8680];
	s9 =	sor.u32 s8, s5  }
0x61: {  	s7 =	sadd.s32 $0x3600, s23;
	s10 =	sor.u32 s8, s6;
	v5 =	vld [tilespmem:s9+$0x0]  }
0x62: {  	s11 =	sor.u32 s8, s7;
	s9 =	sadd.s32 $0x2980, s23;
	v6 =	vld [tilespmem:s10+$0x0]  }
0x63: {  	s10 =	sadd.s32 $0x2900, s23;
	v7 =	vld [tilespmem:s11+$0x0];
	s12 =	sor.u32 s8, s9  }
0x64: {  	s11 =	sadd.s32 $0x2880, s23;
	s13 =	sor.u32 s8, s10;
	v8 =	vld [tilespmem:s12+$0x0]  }
0x65: {  	s14 =	sor.u32 s8, s11;
	s12 =	sadd.s32 $0x2800, s23;
	v9 =	vld [tilespmem:s13+$0x0]  }
0x66: {  	s13 =	sadd.s32 $0x2780, s23;
	v10 =	vld [tilespmem:s14+$0x0];
	s15 =	sor.u32 s8, s12  }
0x67: {  	s14 =	sadd.s32 $0x2700, s23;
	s16 =	sor.u32 s8, s13;
	v11 =	vld [tilespmem:s15+$0x0]  }
0x68: {  	s17 =	sor.u32 s8, s14;
	s15 =	sadd.s32 $0x2680, s23;
	v12 =	vld [tilespmem:s16+$0x0]  }
0x69: {  	s16 =	sadd.s32 $0x2600, s23;
	v13 =	vld [tilespmem:s17+$0x0];
	s18 =	sor.u32 s8, s15  }
0x6a: {  	s17 =	sadd.s32 $0x1980, s23;
	s19 =	sor.u32 s8, s16;
	v14 =	vld [tilespmem:s18+$0x0]  }
0x6b: {  	s20 =	sor.u32 s8, s17;
	s18 =	sadd.s32 $0x1900, s23;
	v15 =	vld [tilespmem:s19+$0x0]  }
0x6c: {  	s19 =	sadd.s32 $0x1880, s23;
	v16 =	vld [tilespmem:s20+$0x0];
	s21 =	sor.u32 s8, s18  }
0x6d: {  	s20 =	sadd.s32 $0x1800, s23;
	s22 =	sor.u32 s8, s19;
	v17 =	vld [tilespmem:s21+$0x0]  }
0x6e: {  	s24 =	sor.u32 s8, s20;
	s21 =	sadd.s32 $0x1780, s23;
	v18 =	vld [tilespmem:s22+$0x0]  }
0x6f: {  	s22 =	sadd.s32 $0x1700, s23;
	v19 =	vld [tilespmem:s24+$0x0];
	s25 =	sor.u32 s8, s21  }
0x70: {  	s26 =	sor.u32 s8, s22;
	v20 =	vld [tilespmem:s25+$0x0];
	s25 =	sadd.s32 $0x1600, s23  }
0x71: {  	s24 =	sadd.s32 $0x1680, s23;
	v21 =	vld [tilespmem:s26+$0x0];
	s23 =	sadd.s32 $0x600, s23;
	s30 =	sor.u32 s8, s25  }
0x72: {  	v23 =	vld [tilespmem:s30+$0x0];
	s30 =	sor.u32 s8, s23  }
0x73: {  	s26 =	sor.u32 s8, s24;
	s8 =	sor.u32 $0x10, s8;
	v30 =	vld [tilespmem:s30+$0x0]  }
0x74: {  	v31 =	vld [tilespmem:s30+$0x80];
	s23 =	sor.u32 s8, s23  }
0x75: {  	v32 =	vld [tilespmem:s23+$0x0]  }
0x76: {  	v35 =	vld [tilespmem:s23+$0x80]  }
0x77: {  	v29 =	vld [tilespmem:s30+$0x100]  }
0x78: {  	v37 =	vld [tilespmem:s23+$0x100]  }
0x79: {  	v28 =	vld [tilespmem:s30+$0x180]  }
0x7a: {  	v39 =	vld [tilespmem:s23+$0x180];
	v30 =	vmul.f32 v30, v33;
	v31 =	vmul.f32 v31, v34  }
0x7b: {  	v27 =	vld [tilespmem:s30+$0x200];
	v32 =	vmul.f32 v32, v33;
	v56 =	vmul.f32 v35, v34  }
0x7c: {  	v29 =	vmul.f32 v29, v36;
	v30 =	vadd.f32 v31, v30;
	v31 =	vld [tilespmem:s23+$0x200]  }
0x7d: {  	v26 =	vld [tilespmem:s30+$0x280];
	v58 =	vmul.f32 v37, v36;
	v32 =	vadd.f32 v56, v32  }
0x7e: {  	v28 =	vmul.f32 v28, v38;
	v29 =	vadd.f32 v29, v30;
	v30 =	vld [tilespmem:s23+$0x280]  }
0x7f: {  	v25 =	vld [tilespmem:s30+$0x300];
	v60 =	vmul.f32 v39, v38;
	v32 =	vadd.f32 v58, v32  }
0x80: {  	v27 =	vmul.f32 v27, v57;
	v28 =	vadd.f32 v28, v29;
	v29 =	vld [tilespmem:s23+$0x300]  }
0x81: {  	v24 =	vld [tilespmem:s30+$0x380];
	v32 =	vadd.f32 v60, v32;
	v31 =	vmul.f32 v31, v57  }
0x82: {  	v26 =	vmul.f32 v26, v59;
	v27 =	vadd.f32 v27, v28;
	v28 =	vld [tilespmem:s23+$0x380]  }
0x83: {  	v22 =	vld [tilespmem:s26+$0x0];
	s26 =	sor.u32 s8, s25;
	v31 =	vadd.f32 v31, v32;
	v30 =	vmul.f32 v30, v59  }
0x84: {  	v25 =	vmul.f32 v25, v61;
	v26 =	vadd.f32 v26, v27;
	v27 =	vld [tilespmem:s26+$0x0]  }
0x85: {  	s30 =	sor.u32 s8, s24;
	v30 =	vadd.f32 v30, v31;
	v29 =	vmul.f32 v29, v61;
	v31 =	vld [tilespmem:$0x8690]  }
0x86: {  	v24 =	vmul.f32 v24, v62;
	v25 =	vadd.f32 v25, v26;
	v26 =	vld [tilespmem:s30+$0x0]  }
0x87: {  	s22 =	sor.u32 s8, s22;
	v29 =	vadd.f32 v29, v30;
	v28 =	vmul.f32 v28, v62;
	v30 =	vld [tilespmem:$0x86A0]  }
0x88: {  	v23 =	vmul.f32 v23, v63;
	v24 =	vadd.f32 v24, v25;
	v25 =	vld [tilespmem:s22+$0x0]  }
0x89: {  	s21 =	sor.u32 s8, s21;
	v28 =	vadd.f32 v28, v29;
	v27 =	vmul.f32 v27, v63;
	v29 =	vld [tilespmem:$0x86B0]  }
0x8a: {  	v23 =	vadd.f32 v23, v24;
	v22 =	vmul.f32 v22, v31;
	v24 =	vld [tilespmem:s21+$0x0]  }
0x8b: {  	s20 =	sor.u32 s8, s20;
	v27 =	vadd.f32 v27, v28;
	v26 =	vmul.f32 v26, v31;
	v28 =	vld [tilespmem:$0x86C0]  }
0x8c: {  	v22 =	vadd.f32 v22, v23;
	v21 =	vmul.f32 v21, v30;
	v23 =	vld [tilespmem:s20+$0x0]  }
0x8d: {  	s19 =	sor.u32 s8, s19;
	v26 =	vadd.f32 v26, v27;
	v25 =	vmul.f32 v25, v30;
	v27 =	vld [tilespmem:$0x86D0]  }
0x8e: {  	v21 =	vadd.f32 v21, v22;
	v20 =	vmul.f32 v20, v29;
	v22 =	vld [tilespmem:s19+$0x0]  }
0x8f: {  	s18 =	sor.u32 s8, s18;
	v25 =	vadd.f32 v25, v26;
	v24 =	vmul.f32 v24, v29;
	v26 =	vld [tilespmem:$0x86E0]  }
0x90: {  	v20 =	vadd.f32 v20, v21;
	v19 =	vmul.f32 v19, v28;
	v21 =	vld [tilespmem:s18+$0x0]  }
0x91: {  	s17 =	sor.u32 s8, s17;
	v24 =	vadd.f32 v24, v25;
	v23 =	vmul.f32 v23, v28;
	v25 =	vld [tilespmem:$0x86F0]  }
0x92: {  	v19 =	vadd.f32 v19, v20;
	v18 =	vmul.f32 v18, v27;
	v20 =	vld [tilespmem:s17+$0x0]  }
0x93: {  	s16 =	sor.u32 s8, s16;
	v23 =	vadd.f32 v23, v24;
	v22 =	vmul.f32 v22, v27;
	v24 =	vld [tilespmem:$0x8700]  }
0x94: {  	v18 =	vadd.f32 v18, v19;
	v17 =	vmul.f32 v17, v26;
	v19 =	vld [tilespmem:s16+$0x0]  }
0x95: {  	s15 =	sor.u32 s8, s15;
	v22 =	vadd.f32 v22, v23;
	v21 =	vmul.f32 v21, v26;
	v23 =	vld [tilespmem:$0x8710]  }
0x96: {  	v17 =	vadd.f32 v17, v18;
	v16 =	vmul.f32 v16, v25;
	v18 =	vld [tilespmem:s15+$0x0]  }
0x97: {  	s14 =	sor.u32 s8, s14;
	v21 =	vadd.f32 v21, v22;
	v20 =	vmul.f32 v20, v25;
	v22 =	vld [tilespmem:$0x8720]  }
0x98: {  	v16 =	vadd.f32 v16, v17;
	v15 =	vmul.f32 v15, v24;
	v17 =	vld [tilespmem:s14+$0x0]  }
0x99: {  	s13 =	sor.u32 s8, s13;
	v20 =	vadd.f32 v20, v21;
	v19 =	vmul.f32 v19, v24;
	v21 =	vld [tilespmem:$0x8730]  }
0x9a: {  	v15 =	vadd.f32 v15, v16;
	v14 =	vmul.f32 v14, v23;
	v16 =	vld [tilespmem:s13+$0x0]  }
0x9b: {  	s12 =	sor.u32 s8, s12;
	v19 =	vadd.f32 v19, v20;
	v18 =	vmul.f32 v18, v23;
	v20 =	vld [tilespmem:$0x8740]  }
0x9c: {  	v14 =	vadd.f32 v14, v15;
	v13 =	vmul.f32 v13, v22;
	v15 =	vld [tilespmem:s12+$0x0]  }
0x9d: {  	s11 =	sor.u32 s8, s11;
	v18 =	vadd.f32 v18, v19;
	v17 =	vmul.f32 v17, v22;
	v19 =	vld [tilespmem:$0x8750]  }
0x9e: {  	v13 =	vadd.f32 v13, v14;
	v12 =	vmul.f32 v12, v21;
	v14 =	vld [tilespmem:s11+$0x0]  }
0x9f: {  	s10 =	sor.u32 s8, s10;
	v17 =	vadd.f32 v17, v18;
	v16 =	vmul.f32 v16, v21;
	v18 =	vld [tilespmem:$0x8760]  }
0xa0: {  	v12 =	vadd.f32 v12, v13;
	v11 =	vmul.f32 v11, v20;
	v13 =	vld [tilespmem:s10+$0x0]  }
0xa1: {  	s9 =	sor.u32 s8, s9;
	v16 =	vadd.f32 v16, v17;
	v15 =	vmul.f32 v15, v20;
	v17 =	vld [tilespmem:$0x8770]  }
0xa2: {  	v11 =	vadd.f32 v11, v12;
	v10 =	vmul.f32 v10, v19;
	v12 =	vld [tilespmem:s9+$0x0]  }
0xa3: {  	s7 =	sor.u32 s8, s7;
	v15 =	vadd.f32 v15, v16;
	v14 =	vmul.f32 v14, v19;
	v16 =	vld [tilespmem:$0x8780]  }
0xa4: {  	v10 =	vadd.f32 v10, v11;
	v9 =	vmul.f32 v9, v18;
	v11 =	vld [tilespmem:s7+$0x0]  }
0xa5: {  	s6 =	sor.u32 s8, s6;
	v14 =	vadd.f32 v14, v15;
	v13 =	vmul.f32 v13, v18;
	v15 =	vld [tilespmem:$0x8790]  }
0xa6: {  	v9 =	vadd.f32 v9, v10;
	v8 =	vmul.f32 v8, v17;
	v10 =	vld [tilespmem:s6+$0x0]  }
0xa7: {  	s5 =	sor.u32 s8, s5;
	v13 =	vadd.f32 v13, v14;
	v12 =	vmul.f32 v12, v17;
	v14 =	vld [tilespmem:$0x87A0]  }
0xa8: {  	v8 =	vadd.f32 v8, v9;
	v7 =	vmul.f32 v7, v16;
	v9 =	vld [tilespmem:s5+$0x0]  }
0xa9: {  	s4 =	sor.u32 s8, s4;
	v12 =	vadd.f32 v12, v13;
	v11 =	vmul.f32 v11, v16;
	v13 =	vld [tilespmem:$0x87B0]  }
0xaa: {  	v7 =	vadd.f32 v7, v8;
	v6 =	vmul.f32 v6, v15;
	v8 =	vld [tilespmem:s4+$0x0]  }
0xab: {  	s3 =	sor.u32 s8, s3;
	v11 =	vadd.f32 v11, v12;
	v10 =	vmul.f32 v10, v15;
	v12 =	vld [tilespmem:$0x87C0]  }
0xac: {  	v6 =	vadd.f32 v6, v7;
	v5 =	vmul.f32 v5, v14;
	v7 =	vld [tilespmem:s3+$0x0]  }
0xad: {  	s2 =	sor.u32 s8, s2;
	v10 =	vadd.f32 v10, v11;
	v9 =	vmul.f32 v9, v14;
	v11 =	vld [tilespmem:$0x87D0]  }
0xae: {  	v5 =	vadd.f32 v5, v6;
	v4 =	vmul.f32 v4, v13;
	v6 =	vld [tilespmem:s2+$0x0]  }
0xaf: {  	s1 =	sor.u32 s8, s1;
	v9 =	vadd.f32 v9, v10;
	v8 =	vmul.f32 v8, v13;
	v10 =	vld [tilespmem:$0x87E0]  }
0xb0: {  	v4 =	vadd.f32 v4, v5;
	v3 =	vmul.f32 v3, v12;
	v5 =	vld [tilespmem:s1+$0x0]  }
0xb1: {  	s0 =	sor.u32 s8, s0;
	v8 =	vadd.f32 v8, v9;
	v7 =	vmul.f32 v7, v12;
	v9 =	vld [tilespmem:$0x87F0]  }
0xb2: {  	v3 =	vadd.f32 v3, v4;
	v2 =	vmul.f32 v2, v11;
	v4 =	vld [tilespmem:s0+$0x0]  }
0xb3: {  	v7 =	vadd.f32 v7, v8;
	v6 =	vmul.f32 v6, v11  }
0xb4: {  	v2 =	vadd.f32 v2, v3;
	v1 =	vmul.f32 v1, v10  }
0xb5: {  	v3 =	vadd.f32 v6, v7;
	v5 =	vmul.f32 v5, v10  }
0xb6: {  	v1 =	vadd.f32 v1, v2;
	v0 =	vmul.f32 v0, v9  }
0xb7: {  	v2 =	vadd.f32 v5, v3;
	v3 =	vmul.f32 v4, v9  }
0xb8: {  	s7 =	simm.s32 $0x100;
	v0 =	vadd.f32 v0, v1  }
0xb9: {  	s31 =	simm.s32 $0x20;
	s10 =	sand.u32 $0x180, s28;
	s13 =	sand.u32 $0xC00, s7;
	v1 =	vadd.f32 v3, v2  }
0xba: {  	s4 =	sand.u32 $0x60, s31;
	s1 =	sor.u32 s8, s10;
	s0 =	sadd.s32 $0x3980, s13;
	[tilespmem:s29+$0x0] =	vst v0  }
0xbb: {  	s3 =	sadd.s32 $0x3900, s13;
	s11 =	sor.u32 s4, s0;
	[tilespmem:s1+$0x8A00] =	vst v1  }
0xbc: {  	s15 =	sadd.s32 $0x3880, s13;
	s12 =	sor.u32 s4, s3;
	v0 =	vld [tilespmem:s11+$0x0]  }
0xbd: {  	s16 =	sadd.s32 $0x3800, s13;
	s14 =	sor.u32 s4, s15;
	v1 =	vld [tilespmem:s12+$0x0]  }
0xbe: {  	s20 =	sadd.s32 $0x3780, s13;
	s17 =	sor.u32 s4, s16;
	v2 =	vld [tilespmem:s14+$0x0]  }
0xbf: {  	s22 =	sadd.s32 $0x3700, s13;
	s18 =	sor.u32 s4, s20;
	v3 =	vld [tilespmem:s17+$0x0]  }
0xc0: {  	s6 =	sadd.s32 $0x3600, s13;
	s19 =	sor.u32 s4, s22;
	v4 =	vld [tilespmem:s18+$0x0]  }
0xc1: {  	s23 =	sor.u32 s4, s6;
	s8 =	sadd.s32 $0x2980, s13;
	v5 =	vld [tilespmem:s19+$0x0]  }
0xc2: {  	s10 =	sadd.s32 $0x2900, s13;
	s24 =	sor.u32 s4, s8;
	v7 =	vld [tilespmem:s23+$0x0]  }
0xc3: {  	s9 =	sadd.s32 $0x2700, s13;
	s25 =	sor.u32 s4, s10;
	v8 =	vld [tilespmem:s24+$0x0]  }
0xc4: {  	s14 =	sadd.s32 $0x3680, s13;
	v9 =	vld [tilespmem:s25+$0x0];
	s17 =	sor.u32 s4, s9  }
0xc5: {  	s11 =	sadd.s32 $0x2880, s13;
	s21 =	sor.u32 s4, s14;
	v13 =	vld [tilespmem:s17+$0x0]  }
0xc6: {  	s12 =	sadd.s32 $0x2800, s13;
	s26 =	sor.u32 s4, s11;
	v6 =	vld [tilespmem:s21+$0x0]  }
0xc7: {  	s19 =	sadd.s32 $0x2780, s13;
	s30 =	sor.u32 s4, s12;
	v10 =	vld [tilespmem:s26+$0x0]  }
0xc8: {  	s24 =	sadd.s32 $0x2680, s13;
	s5 =	sor.u32 s4, s19;
	v11 =	vld [tilespmem:s30+$0x0]  }
0xc9: {  	s25 =	sadd.s32 $0x2600, s13;
	s18 =	sor.u32 s4, s24;
	v12 =	vld [tilespmem:s5+$0x0]  }
0xca: {  	s1 =	sadd.s32 $0x1900, s13;
	s21 =	sor.u32 s4, s25;
	v14 =	vld [tilespmem:s18+$0x0]  }
0xcb: {  	s26 =	sadd.s32 $0x1980, s13;
	s30 =	sor.u32 s4, s1;
	v15 =	vld [tilespmem:s21+$0x0]  }
0xcc: {  	s2 =	sadd.s32 $0x1880, s13;
	s23 =	sor.u32 s4, s26;
	v17 =	vld [tilespmem:s30+$0x0]  }
0xcd: {  	s28 =	sadd.s32 $0x1780, s13;
	s21 =	sor.u32 s4, s2;
	v16 =	vld [tilespmem:s23+$0x0]  }
0xce: {  	s5 =	sadd.s32 $0x1800, s13;
	s30 =	sor.u32 s4, s28;
	v18 =	vld [tilespmem:s21+$0x0]  }
0xcf: {  	s23 =	sor.u32 s4, s5;
	v20 =	vld [tilespmem:s30+$0x0];
	s21 =	sadd.s32 $0x1680, s13  }
0xd0: {  	v19 =	vld [tilespmem:s23+$0x0];
	s23 =	sadd.s32 $0x1700, s13;
	s30 =	sor.u32 s4, s21  }
0xd1: {  	s17 =	sadd.s32 $0x1600, s13;
	s18 =	sor.u32 s4, s23;
	v22 =	vld [tilespmem:s30+$0x0]  }
0xd2: {  	s13 =	sadd.s32 $0x600, s13;
	s30 =	sor.u32 s4, s17;
	v21 =	vld [tilespmem:s18+$0x0]  }
0xd3: {  	s29 =	sor.u32 s4, s13;
	v23 =	vld [tilespmem:s30+$0x0]  }
0xd4: {  	v24 =	vld [tilespmem:s29+$0x380]  }
0xd5: {  	v25 =	vld [tilespmem:s29+$0x300]  }
0xd6: {  	v26 =	vld [tilespmem:s29+$0x280]  }
0xd7: {  	v27 =	vld [tilespmem:s29+$0x200]  }
0xd8: {  	v28 =	vld [tilespmem:s29+$0x180]  }
0xd9: {  	v29 =	vld [tilespmem:s29+$0x100]  }
0xda: {  	s18 =	sor.u32 $0x10, s4;
	v31 =	vld [tilespmem:s29+$0x0]  }
0xdb: {  	v32 =	vld [tilespmem:s29+$0x80];
	s29 =	sor.u32 s18, s13  }
0xdc: {  	s4 =	simm.s32 $0x8A00;
	s13 =	simm.s32 $0x40;
	v30 =	vld [tilespmem:s29+$0x0]  }
.LBB2_2:
0xdd: {  	v33 =	vld [tilespmem:$0x8600]  }
0xde: {  	v34 =	vld [tilespmem:$0x8610]  }
0xdf: {  	v35 =	vld [tilespmem:s29+$0x80]  }
0xe0: {  	v36 =	vld [tilespmem:$0x8620]  }
0xe1: {  	v37 =	vld [tilespmem:s29+$0x100]  }
0xe2: {  	v38 =	vld [tilespmem:$0x8630]  }
0xe3: {  	v39 =	vld [tilespmem:s29+$0x180];
	v31 =	vmul.f32 v31, v33;
	v32 =	vmul.f32 v32, v34  }
0xe4: {  	v56 =	vld [tilespmem:$0x8640];
	v30 =	vmul.f32 v30, v33;
	v55 =	vmul.f32 v35, v34  }
0xe5: {  	v57 =	vld [tilespmem:s29+$0x200];
	v29 =	vmul.f32 v29, v36;
	v31 =	vadd.f32 v32, v31  }
0xe6: {  	v59 =	vld [tilespmem:$0x8650];
	v58 =	vmul.f32 v37, v36;
	v30 =	vadd.f32 v55, v30  }
0xe7: {  	v28 =	vmul.f32 v28, v38;
	v29 =	vadd.f32 v29, v31;
	v31 =	vld [tilespmem:s29+$0x280]  }
0xe8: {  	v61 =	vld [tilespmem:$0x8660];
	v60 =	vmul.f32 v39, v38;
	v30 =	vadd.f32 v58, v30  }
0xe9: {  	v27 =	vmul.f32 v27, v56;
	v28 =	vadd.f32 v28, v29;
	v29 =	vld [tilespmem:s29+$0x300]  }
0xea: {  	v62 =	vld [tilespmem:$0x8670];
	v32 =	vmul.f32 v57, v56;
	v30 =	vadd.f32 v60, v30  }
0xeb: {  	v26 =	vmul.f32 v26, v59;
	v27 =	vadd.f32 v27, v28;
	v28 =	vld [tilespmem:s29+$0x380]  }
0xec: {  	v63 =	vld [tilespmem:$0x8680];
	s17 =	sor.u32 s18, s17;
	v30 =	vadd.f32 v32, v30;
	v31 =	vmul.f32 v31, v59  }
0xed: {  	v25 =	vmul.f32 v25, v61;
	v26 =	vadd.f32 v26, v27;
	v27 =	vld [tilespmem:s17+$0x0]  }
0xee: {  	s30 =	sor.u32 s18, s21;
	v30 =	vadd.f32 v31, v30;
	v29 =	vmul.f32 v29, v61;
	v31 =	vld [tilespmem:$0x8690]  }
0xef: {  	v24 =	vmul.f32 v24, v62;
	v25 =	vadd.f32 v25, v26;
	v26 =	vld [tilespmem:s30+$0x0]  }
0xf0: {  	s21 =	sor.u32 s18, s23;
	v29 =	vadd.f32 v29, v30;
	v28 =	vmul.f32 v28, v62;
	v30 =	vld [tilespmem:$0x86A0]  }
0xf1: {  	v23 =	vmul.f32 v23, v63;
	v24 =	vadd.f32 v24, v25;
	v25 =	vld [tilespmem:s21+$0x0]  }
0xf2: {  	s23 =	sor.u32 s18, s28;
	v28 =	vadd.f32 v28, v29;
	v27 =	vmul.f32 v27, v63;
	v29 =	vld [tilespmem:$0x86B0]  }
0xf3: {  	v23 =	vadd.f32 v23, v24;
	v22 =	vmul.f32 v22, v31;
	v24 =	vld [tilespmem:s23+$0x0]  }
0xf4: {  	s5 =	sor.u32 s18, s5;
	v27 =	vadd.f32 v27, v28;
	v26 =	vmul.f32 v26, v31;
	v28 =	vld [tilespmem:$0x86C0]  }
0xf5: {  	v22 =	vadd.f32 v22, v23;
	v21 =	vmul.f32 v21, v30;
	v23 =	vld [tilespmem:s5+$0x0]  }
0xf6: {  	s2 =	sor.u32 s18, s2;
	v26 =	vadd.f32 v26, v27;
	v25 =	vmul.f32 v25, v30;
	v27 =	vld [tilespmem:$0x86D0]  }
0xf7: {  	v21 =	vadd.f32 v21, v22;
	v20 =	vmul.f32 v20, v29;
	v22 =	vld [tilespmem:s2+$0x0]  }
0xf8: {  	s1 =	sor.u32 s18, s1;
	v25 =	vadd.f32 v25, v26;
	v24 =	vmul.f32 v24, v29;
	v26 =	vld [tilespmem:$0x86E0]  }
0xf9: {  	v20 =	vadd.f32 v20, v21;
	v19 =	vmul.f32 v19, v28;
	v21 =	vld [tilespmem:s1+$0x0]  }
0xfa: {  	s26 =	sor.u32 s18, s26;
	v24 =	vadd.f32 v24, v25;
	v23 =	vmul.f32 v23, v28;
	v25 =	vld [tilespmem:$0x86F0]  }
0xfb: {  	v19 =	vadd.f32 v19, v20;
	v18 =	vmul.f32 v18, v27;
	v20 =	vld [tilespmem:s26+$0x0]  }
0xfc: {  	s30 =	sor.u32 s18, s25;
	v23 =	vadd.f32 v23, v24;
	v22 =	vmul.f32 v22, v27;
	v24 =	vld [tilespmem:$0x8700]  }
0xfd: {  	v18 =	vadd.f32 v18, v19;
	v17 =	vmul.f32 v17, v26;
	v19 =	vld [tilespmem:s30+$0x0]  }
0xfe: {  	s2 =	sor.u32 s18, s24;
	v22 =	vadd.f32 v22, v23;
	v21 =	vmul.f32 v21, v26;
	v23 =	vld [tilespmem:$0x8710]  }
0xff: {  	v17 =	vadd.f32 v17, v18;
	v16 =	vmul.f32 v16, v25;
	v18 =	vld [tilespmem:s2+$0x0]  }
0x100: {  	s5 =	sor.u32 s18, s9;
	v21 =	vadd.f32 v21, v22;
	v20 =	vmul.f32 v20, v25;
	v22 =	vld [tilespmem:$0x8720]  }
0x101: {  	v16 =	vadd.f32 v16, v17;
	v15 =	vmul.f32 v15, v24;
	v17 =	vld [tilespmem:s5+$0x0]  }
0x102: {  	s9 =	sor.u32 s18, s19;
	v20 =	vadd.f32 v20, v21;
	v19 =	vmul.f32 v19, v24;
	v21 =	vld [tilespmem:$0x8730]  }
0x103: {  	v15 =	vadd.f32 v15, v16;
	v14 =	vmul.f32 v14, v23;
	v16 =	vld [tilespmem:s9+$0x0]  }
0x104: {  	s12 =	sor.u32 s18, s12;
	v19 =	vadd.f32 v19, v20;
	v18 =	vmul.f32 v18, v23;
	v20 =	vld [tilespmem:$0x8740]  }
0x105: {  	v14 =	vadd.f32 v14, v15;
	v13 =	vmul.f32 v13, v22;
	v15 =	vld [tilespmem:s12+$0x0]  }
0x106: {  	s17 =	sor.u32 s18, s11;
	v18 =	vadd.f32 v18, v19;
	v17 =	vmul.f32 v17, v22;
	v19 =	vld [tilespmem:$0x8750]  }
0x107: {  	v13 =	vadd.f32 v13, v14;
	v12 =	vmul.f32 v12, v21;
	v14 =	vld [tilespmem:s17+$0x0]  }
0x108: {  	s19 =	sor.u32 s18, s10;
	v17 =	vadd.f32 v17, v18;
	v16 =	vmul.f32 v16, v21;
	v18 =	vld [tilespmem:$0x8760]  }
0x109: {  	v12 =	vadd.f32 v12, v13;
	v11 =	vmul.f32 v11, v20;
	v13 =	vld [tilespmem:s19+$0x0]  }
0x10a: {  	s21 =	sor.u32 s18, s8;
	v16 =	vadd.f32 v16, v17;
	v15 =	vmul.f32 v15, v20;
	v17 =	vld [tilespmem:$0x8770]  }
0x10b: {  	v11 =	vadd.f32 v11, v12;
	v10 =	vmul.f32 v10, v19;
	v12 =	vld [tilespmem:s21+$0x0]  }
0x10c: {  	s23 =	sor.u32 s18, s6;
	v15 =	vadd.f32 v15, v16;
	v14 =	vmul.f32 v14, v19;
	v16 =	vld [tilespmem:$0x8780]  }
0x10d: {  	v10 =	vadd.f32 v10, v11;
	v9 =	vmul.f32 v9, v18;
	v11 =	vld [tilespmem:s23+$0x0]  }
0x10e: {  	s24 =	sor.u32 s18, s14;
	v14 =	vadd.f32 v14, v15;
	v13 =	vmul.f32 v13, v18;
	v15 =	vld [tilespmem:$0x8790]  }
0x10f: {  	v9 =	vadd.f32 v9, v10;
	v8 =	vmul.f32 v8, v17;
	v10 =	vld [tilespmem:s24+$0x0]  }
0x110: {  	s25 =	sor.u32 s18, s22;
	v13 =	vadd.f32 v13, v14;
	v12 =	vmul.f32 v12, v17;
	v14 =	vld [tilespmem:$0x87A0]  }
0x111: {  	v8 =	vadd.f32 v8, v9;
	v7 =	vmul.f32 v7, v16;
	v9 =	vld [tilespmem:s25+$0x0]  }
0x112: {  	s26 =	sor.u32 s18, s20;
	v12 =	vadd.f32 v12, v13;
	v11 =	vmul.f32 v11, v16;
	v13 =	vld [tilespmem:$0x87B0]  }
0x113: {  	v7 =	vadd.f32 v7, v8;
	v6 =	vmul.f32 v6, v15;
	v8 =	vld [tilespmem:s26+$0x0]  }
0x114: {  	s30 =	sor.u32 s18, s16;
	v11 =	vadd.f32 v11, v12;
	v10 =	vmul.f32 v10, v15;
	v12 =	vld [tilespmem:$0x87C0]  }
0x115: {  	v6 =	vadd.f32 v6, v7;
	v5 =	vmul.f32 v5, v14;
	v7 =	vld [tilespmem:s30+$0x0]  }
0x116: {  	s2 =	sor.u32 s18, s15;
	v10 =	vadd.f32 v10, v11;
	v9 =	vmul.f32 v9, v14;
	v11 =	vld [tilespmem:$0x87D0]  }
0x117: {  	v5 =	vadd.f32 v5, v6;
	v4 =	vmul.f32 v4, v13;
	v6 =	vld [tilespmem:s2+$0x0]  }
0x118: {  	s3 =	sor.u32 s18, s3;
	v9 =	vadd.f32 v9, v10;
	v8 =	vmul.f32 v8, v13;
	v10 =	vld [tilespmem:$0x87E0]  }
0x119: {  	v4 =	vadd.f32 v4, v5;
	v3 =	vmul.f32 v3, v12;
	v5 =	vld [tilespmem:s3+$0x0]  }
0x11a: {  	s0 =	sor.u32 s18, s0;
	v8 =	vadd.f32 v8, v9;
	v7 =	vmul.f32 v7, v12;
	v9 =	vld [tilespmem:$0x87F0]  }
0x11b: {  	v3 =	vadd.f32 v3, v4;
	v2 =	vmul.f32 v2, v11;
	v4 =	vld [tilespmem:s0+$0x0]  }
0x11c: {  	v7 =	vadd.f32 v7, v8;
	v6 =	vmul.f32 v6, v11  }
0x11d: {  	v2 =	vadd.f32 v2, v3;
	v1 =	vmul.f32 v1, v10  }
0x11e: {  	v3 =	vadd.f32 v6, v7;
	v5 =	vmul.f32 v5, v10  }
0x11f: {  	v1 =	vadd.f32 v1, v2;
	v0 =	vmul.f32 v0, v9  }
0x120: {  	s7 =	sadd.s32 $0x100, s7;
	v2 =	vadd.f32 v5, v3;
	v3 =	vmul.f32 v4, v9  }
0x121: {  	[dreg:$0x13] =	wrdreg s7;
	v0 =	vadd.f32 v0, v1  }
0x122: {  	s5 =	sand.u32 $0x180, s31;
	s30 =	sand.u32 $0xC00, s7;
	s7 =	sadd.s32 $0x20, s4;
	v1 =	vadd.f32 v3, v2  }
0x123: {  	s29 =	sand.u32 $0x60, s13;
	s1 =	sor.u32 s18, s5;
	s0 =	sadd.s32 $0x3980, s30;
	[tilespmem:s7+$0x0] =	vst v0  }
0x124: {  	s3 =	sadd.s32 $0x3900, s30;
	s6 =	sor.u32 s29, s0;
	[tilespmem:s1+$0x8A00] =	vst v1  }
0x125: {  	s15 =	sadd.s32 $0x3880, s30;
	s8 =	sor.u32 s29, s3;
	v0 =	vld [tilespmem:s6+$0x0]  }
0x126: {  	s16 =	sadd.s32 $0x3800, s30;
	s9 =	sor.u32 s29, s15;
	v1 =	vld [tilespmem:s8+$0x0]  }
0x127: {  	s20 =	sadd.s32 $0x3780, s30;
	s10 =	sor.u32 s29, s16;
	v2 =	vld [tilespmem:s9+$0x0]  }
0x128: {  	s22 =	sadd.s32 $0x3700, s30;
	s11 =	sor.u32 s29, s20;
	v3 =	vld [tilespmem:s10+$0x0]  }
0x129: {  	s14 =	sadd.s32 $0x3680, s30;
	s12 =	sor.u32 s29, s22;
	v4 =	vld [tilespmem:s11+$0x0]  }
0x12a: {  	s17 =	sor.u32 s29, s14;
	s6 =	sadd.s32 $0x3600, s30;
	v5 =	vld [tilespmem:s12+$0x0]  }
0x12b: {  	s8 =	sadd.s32 $0x2980, s30;
	v6 =	vld [tilespmem:s17+$0x0];
	s18 =	sor.u32 s29, s6  }
0x12c: {  	s10 =	sadd.s32 $0x2900, s30;
	s19 =	sor.u32 s29, s8;
	v7 =	vld [tilespmem:s18+$0x0]  }
0x12d: {  	s11 =	sadd.s32 $0x2880, s30;
	s21 =	sor.u32 s29, s10;
	v8 =	vld [tilespmem:s19+$0x0]  }
0x12e: {  	s12 =	sadd.s32 $0x2800, s30;
	s23 =	sor.u32 s29, s11;
	v9 =	vld [tilespmem:s21+$0x0]  }
0x12f: {  	s9 =	sadd.s32 $0x2700, s30;
	s24 =	sor.u32 s29, s12;
	v10 =	vld [tilespmem:s23+$0x0]  }
0x130: {  	s1 =	sadd.s32 $0x1900, s30;
	s26 =	sor.u32 s29, s9;
	v11 =	vld [tilespmem:s24+$0x0]  }
0x131: {  	s2 =	sadd.s32 $0x1880, s30;
	v13 =	vld [tilespmem:s26+$0x0];
	s21 =	sor.u32 s29, s1  }
0x132: {  	s19 =	sadd.s32 $0x2780, s30;
	s23 =	sor.u32 s29, s2;
	v17 =	vld [tilespmem:s21+$0x0]  }
0x133: {  	s24 =	sadd.s32 $0x2680, s30;
	s25 =	sor.u32 s29, s19;
	v18 =	vld [tilespmem:s23+$0x0]  }
0x134: {  	s26 =	sadd.s32 $0x1980, s30;
	s5 =	sor.u32 s29, s24;
	v12 =	vld [tilespmem:s25+$0x0]  }
0x135: {  	s18 =	sor.u32 s29, s26;
	s23 =	sadd.s32 $0x1700, s30;
	v14 =	vld [tilespmem:s5+$0x0]  }
0x136: {  	s25 =	sadd.s32 $0x2600, s30;
	v16 =	vld [tilespmem:s18+$0x0];
	s18 =	sor.u32 s29, s23  }
0x137: {  	s5 =	sadd.s32 $0x1800, s30;
	s17 =	sor.u32 s29, s25;
	v21 =	vld [tilespmem:s18+$0x0]  }
0x138: {  	s28 =	sadd.s32 $0x1780, s30;
	s21 =	sor.u32 s29, s5;
	v15 =	vld [tilespmem:s17+$0x0]  }
0x139: {  	s17 =	sor.u32 s29, s28;
	v19 =	vld [tilespmem:s21+$0x0];
	s21 =	sadd.s32 $0x1680, s30  }
0x13a: {  	v20 =	vld [tilespmem:s17+$0x0];
	s17 =	sadd.s32 $0x1600, s30;
	s31 =	sor.u32 s29, s21  }
0x13b: {  	s30 =	sadd.s32 $0x600, s30;
	s18 =	sor.u32 s29, s17;
	v22 =	vld [tilespmem:s31+$0x0]  }
0x13c: {  	s31 =	sor.u32 s29, s30;
	v23 =	vld [tilespmem:s18+$0x0]  }
0x13d: {  	v24 =	vld [tilespmem:s31+$0x380]  }
0x13e: {  	v25 =	vld [tilespmem:s31+$0x300]  }
0x13f: {  	v26 =	vld [tilespmem:s31+$0x280]  }
0x140: {  	p0 =	sne.s32 s13, $0x1E0;
	v27 =	vld [tilespmem:s31+$0x200]  }
.Ltmp0:
0x141: {  	v28 =	vld [tilespmem:s31+$0x180];
	(pc) =	sbr.rel @p0 .LBB2_2-.Ltmp0, $4  }
0x142: {  	v29 =	vld [tilespmem:s31+$0x100]  }
0x143: {  	s18 =	sor.u32 $0x10, s29;
	v31 =	vld [tilespmem:s31+$0x0]  }
0x144: {  	s4 =	smov.u32 s13;
	s13 =	sadd.s32 $0x20, s13;
	v32 =	vld [tilespmem:s31+$0x80];
	s29 =	sor.u32 s18, s30  }
0x145: {  	s31 =	smov.u32 s4;
	s4 =	smov.u32 s7;
	s7 =	rddreg [dreg:$0x13];
	v30 =	vld [tilespmem:s29+$0x0]  }
0x146: {  	v33 =	vld [tilespmem:$0x8600]  }
0x147: {  	v34 =	vld [tilespmem:$0x8610]  }
0x148: {  	v35 =	vld [tilespmem:s29+$0x80]  }
0x149: {  	v36 =	vld [tilespmem:$0x8620]  }
0x14a: {  	v37 =	vld [tilespmem:s29+$0x100]  }
0x14b: {  	v38 =	vld [tilespmem:$0x8630]  }
0x14c: {  	v39 =	vld [tilespmem:s29+$0x180];
	v31 =	vmul.f32 v31, v33;
	v32 =	vmul.f32 v32, v34  }
0x14d: {  	v55 =	vld [tilespmem:$0x8640];
	v30 =	vmul.f32 v30, v33;
	v54 =	vmul.f32 v35, v34  }
0x14e: {  	v56 =	vld [tilespmem:s29+$0x200];
	v29 =	vmul.f32 v29, v36;
	v31 =	vadd.f32 v32, v31  }
0x14f: {  	v58 =	vld [tilespmem:$0x8650];
	v57 =	vmul.f32 v37, v36;
	v30 =	vadd.f32 v54, v30  }
0x150: {  	v28 =	vmul.f32 v28, v38;
	v29 =	vadd.f32 v29, v31;
	v31 =	vld [tilespmem:s29+$0x280]  }
0x151: {  	v60 =	vld [tilespmem:$0x8660];
	v59 =	vmul.f32 v39, v38;
	v30 =	vadd.f32 v57, v30  }
0x152: {  	v27 =	vmul.f32 v27, v55;
	v28 =	vadd.f32 v28, v29;
	v29 =	vld [tilespmem:s29+$0x300]  }
0x153: {  	v61 =	vld [tilespmem:$0x8670];
	v32 =	vmul.f32 v56, v55;
	v30 =	vadd.f32 v59, v30  }
0x154: {  	v62 =	vld [tilespmem:s29+$0x380];
	v26 =	vmul.f32 v26, v58;
	v27 =	vadd.f32 v27, v28  }
0x155: {  	s7 =	sor.u32 s18, s17;
	v28 =	vadd.f32 v32, v30;
	v30 =	vmul.f32 v31, v58;
	v31 =	vld [tilespmem:$0x8680]  }
0x156: {  	v63 =	vld [tilespmem:s7+$0x0];
	v25 =	vmul.f32 v25, v60;
	v26 =	vadd.f32 v26, v27  }
0x157: {  	s21 =	sor.u32 s18, s21;
	v27 =	vadd.f32 v30, v28;
	v28 =	vmul.f32 v29, v60;
	v29 =	vld [tilespmem:$0x8690]  }
0x158: {  	v24 =	vmul.f32 v24, v61;
	v25 =	vadd.f32 v25, v26;
	v26 =	vld [tilespmem:s21+$0x0]  }
0x159: {  	s23 =	sor.u32 s18, s23;
	v30 =	vld [tilespmem:$0x86A0];
	v27 =	vadd.f32 v28, v27;
	v28 =	vmul.f32 v62, v61  }
0x15a: {  	v24 =	vadd.f32 v24, v25;
	v23 =	vmul.f32 v23, v31;
	v25 =	vld [tilespmem:s23+$0x0]  }
0x15b: {  	s28 =	sor.u32 s18, s28;
	v27 =	vadd.f32 v28, v27;
	v28 =	vmul.f32 v63, v31;
	v31 =	vld [tilespmem:$0x86B0]  }
0x15c: {  	v23 =	vadd.f32 v23, v24;
	v22 =	vmul.f32 v22, v29;
	v24 =	vld [tilespmem:s28+$0x0]  }
0x15d: {  	s5 =	sor.u32 s18, s5;
	v27 =	vadd.f32 v28, v27;
	v26 =	vmul.f32 v26, v29;
	v28 =	vld [tilespmem:$0x86C0]  }
0x15e: {  	v21 =	vmul.f32 v21, v30;
	v22 =	vadd.f32 v22, v23;
	v23 =	vld [tilespmem:s5+$0x0]  }
0x15f: {  	s2 =	sor.u32 s18, s2;
	v26 =	vadd.f32 v26, v27;
	v25 =	vmul.f32 v25, v30;
	v27 =	vld [tilespmem:$0x86D0]  }
0x160: {  	v21 =	vadd.f32 v21, v22;
	v20 =	vmul.f32 v20, v31;
	v22 =	vld [tilespmem:s2+$0x0]  }
0x161: {  	s1 =	sor.u32 s18, s1;
	v25 =	vadd.f32 v25, v26;
	v24 =	vmul.f32 v24, v31;
	v26 =	vld [tilespmem:$0x86E0]  }
0x162: {  	v20 =	vadd.f32 v20, v21;
	v19 =	vmul.f32 v19, v28;
	v21 =	vld [tilespmem:s1+$0x0]  }
0x163: {  	s2 =	sor.u32 s18, s26;
	v24 =	vadd.f32 v24, v25;
	v23 =	vmul.f32 v23, v28;
	v25 =	vld [tilespmem:$0x86F0]  }
0x164: {  	v19 =	vadd.f32 v19, v20;
	v18 =	vmul.f32 v18, v27;
	v20 =	vld [tilespmem:s2+$0x0]  }
0x165: {  	s5 =	sor.u32 s18, s25;
	v23 =	vadd.f32 v23, v24;
	v22 =	vmul.f32 v22, v27;
	v24 =	vld [tilespmem:$0x8700]  }
0x166: {  	v18 =	vadd.f32 v18, v19;
	v17 =	vmul.f32 v17, v26;
	v19 =	vld [tilespmem:s5+$0x0]  }
0x167: {  	s7 =	sor.u32 s18, s24;
	v22 =	vadd.f32 v22, v23;
	v21 =	vmul.f32 v21, v26;
	v23 =	vld [tilespmem:$0x8710]  }
0x168: {  	v17 =	vadd.f32 v17, v18;
	v16 =	vmul.f32 v16, v25;
	v18 =	vld [tilespmem:s7+$0x0]  }
0x169: {  	s9 =	sor.u32 s18, s9;
	v21 =	vadd.f32 v21, v22;
	v20 =	vmul.f32 v20, v25;
	v22 =	vld [tilespmem:$0x8720]  }
0x16a: {  	v16 =	vadd.f32 v16, v17;
	v15 =	vmul.f32 v15, v24;
	v17 =	vld [tilespmem:s9+$0x0]  }
0x16b: {  	s13 =	sor.u32 s18, s19;
	v20 =	vadd.f32 v20, v21;
	v19 =	vmul.f32 v19, v24;
	v21 =	vld [tilespmem:$0x8730]  }
0x16c: {  	v15 =	vadd.f32 v15, v16;
	v14 =	vmul.f32 v14, v23;
	v16 =	vld [tilespmem:s13+$0x0]  }
0x16d: {  	s17 =	sor.u32 s18, s12;
	v19 =	vadd.f32 v19, v20;
	v18 =	vmul.f32 v18, v23;
	v20 =	vld [tilespmem:$0x8740]  }
0x16e: {  	v14 =	vadd.f32 v14, v15;
	v13 =	vmul.f32 v13, v22;
	v15 =	vld [tilespmem:s17+$0x0]  }
0x16f: {  	s19 =	sor.u32 s18, s11;
	v18 =	vadd.f32 v18, v19;
	v17 =	vmul.f32 v17, v22;
	v19 =	vld [tilespmem:$0x8750]  }
0x170: {  	v13 =	vadd.f32 v13, v14;
	v12 =	vmul.f32 v12, v21;
	v14 =	vld [tilespmem:s19+$0x0]  }
0x171: {  	s21 =	sor.u32 s18, s10;
	v17 =	vadd.f32 v17, v18;
	v16 =	vmul.f32 v16, v21;
	v18 =	vld [tilespmem:$0x8760]  }
0x172: {  	v12 =	vadd.f32 v12, v13;
	v11 =	vmul.f32 v11, v20;
	v13 =	vld [tilespmem:s21+$0x0]  }
0x173: {  	s23 =	sor.u32 s18, s8;
	v16 =	vadd.f32 v16, v17;
	v15 =	vmul.f32 v15, v20;
	v17 =	vld [tilespmem:$0x8770]  }
0x174: {  	v11 =	vadd.f32 v11, v12;
	v10 =	vmul.f32 v10, v19;
	v12 =	vld [tilespmem:s23+$0x0]  }
0x175: {  	s24 =	sor.u32 s18, s6;
	v15 =	vadd.f32 v15, v16;
	v14 =	vmul.f32 v14, v19;
	v16 =	vld [tilespmem:$0x8780]  }
0x176: {  	v10 =	vadd.f32 v10, v11;
	v9 =	vmul.f32 v9, v18;
	v11 =	vld [tilespmem:s24+$0x0]  }
0x177: {  	s25 =	sor.u32 s18, s14;
	v14 =	vadd.f32 v14, v15;
	v13 =	vmul.f32 v13, v18;
	v15 =	vld [tilespmem:$0x8790]  }
0x178: {  	v9 =	vadd.f32 v9, v10;
	v8 =	vmul.f32 v8, v17;
	v10 =	vld [tilespmem:s25+$0x0]  }
0x179: {  	s26 =	sor.u32 s18, s22;
	v13 =	vadd.f32 v13, v14;
	v12 =	vmul.f32 v12, v17;
	v14 =	vld [tilespmem:$0x87A0]  }
0x17a: {  	v8 =	vadd.f32 v8, v9;
	v7 =	vmul.f32 v7, v16;
	v9 =	vld [tilespmem:s26+$0x0]  }
0x17b: {  	s28 =	sor.u32 s18, s20;
	v12 =	vadd.f32 v12, v13;
	v11 =	vmul.f32 v11, v16;
	v13 =	vld [tilespmem:$0x87B0]  }
0x17c: {  	v7 =	vadd.f32 v7, v8;
	v6 =	vmul.f32 v6, v15;
	v8 =	vld [tilespmem:s28+$0x0]  }
0x17d: {  	s2 =	sor.u32 s18, s16;
	v11 =	vadd.f32 v11, v12;
	v10 =	vmul.f32 v10, v15;
	v12 =	vld [tilespmem:$0x87C0]  }
0x17e: {  	v6 =	vadd.f32 v6, v7;
	v5 =	vmul.f32 v5, v14;
	v7 =	vld [tilespmem:s2+$0x0]  }
0x17f: {  	s5 =	sor.u32 s18, s15;
	v10 =	vadd.f32 v10, v11;
	v9 =	vmul.f32 v9, v14;
	v11 =	vld [tilespmem:$0x87D0]  }
0x180: {  	v5 =	vadd.f32 v5, v6;
	v4 =	vmul.f32 v4, v13;
	v6 =	vld [tilespmem:s5+$0x0]  }
0x181: {  	s6 =	sor.u32 s18, s3;
	v9 =	vadd.f32 v9, v10;
	v8 =	vmul.f32 v8, v13;
	v10 =	vld [tilespmem:$0x87E0]  }
0x182: {  	v4 =	vadd.f32 v4, v5;
	v3 =	vmul.f32 v3, v12;
	v5 =	vld [tilespmem:s6+$0x0]  }
0x183: {  	s0 =	sor.u32 s18, s0;
	v8 =	vadd.f32 v8, v9;
	v7 =	vmul.f32 v7, v12;
	v9 =	vld [tilespmem:$0x87F0]  }
0x184: {  	v3 =	vadd.f32 v3, v4;
	v2 =	vmul.f32 v2, v11;
	v4 =	vld [tilespmem:s0+$0x0]  }
0x185: {  	v7 =	vadd.f32 v7, v8;
	v6 =	vmul.f32 v6, v11  }
0x186: {  	v2 =	vadd.f32 v2, v3;
	v1 =	vmul.f32 v1, v10  }
0x187: {  	v3 =	vadd.f32 v6, v7;
	v5 =	vmul.f32 v5, v10  }
0x188: {  	v1 =	vadd.f32 v1, v2;
	v0 =	vmul.f32 v0, v9  }
0x189: {  	v2 =	vadd.f32 v5, v3;
	v3 =	vmul.f32 v4, v9  }
0x18a: {  	v0 =	vadd.f32 v0, v1  }
0x18b: {  	s8 =	sadd.s32 $0x20, s4;
	s7 =	sand.u32 $0x180, s31;
	v1 =	vadd.f32 v3, v2  }
0x18c: {  	s0 =	sor.u32 s18, s7;
	[tilespmem:s8+$0x0] =	vst v0  }
0x18d: {  	s9 =	simm.s32 $0x1;
	s18 =	simm.s32 $0x0;
	[tilespmem:s0+$0x8A00] =	vst v1  }
0x18e: {  	s3 =	sand.u32 $0xC00, s18;
	_ =	swait.ge [sflag:s9], $0x4000  }
0x18f: {  	s12 =	sand.u32 $0x60, s18;
	s24 =	sadd.s32 $0x7980, s3;
	[sflag:s9] =	ssyncset.done $0x0  }
0x190: {  	s19 =	sadd.s32 $0x7900, s3;
	s10 =	sor.u32 s12, s24;
	[sflag:s9] =	ssyncadd.s32 $0xFFFFC000  }
0x191: {  	s6 =	sadd.s32 $0x7880, s3;
	s11 =	sor.u32 s12, s19;
	v0 =	vld [tilespmem:s10+$0x0]  }
0x192: {  	s13 =	sor.u32 s12, s6;
	s8 =	sadd.s32 $0x7800, s3;
	v1 =	vld [tilespmem:s11+$0x0]  }
0x193: {  	s17 =	sadd.s32 $0x7600, s3;
	s14 =	sor.u32 s12, s8;
	v2 =	vld [tilespmem:s13+$0x0]  }
0x194: {  	s21 =	sadd.s32 $0x6980, s3;
	s22 =	sor.u32 s12, s17;
	v3 =	vld [tilespmem:s14+$0x0]  }
0x195: {  	s23 =	sadd.s32 $0x6900, s3;
	s25 =	sor.u32 s12, s21;
	v7 =	vld [tilespmem:s22+$0x0]  }
0x196: {  	s26 =	sadd.s32 $0x6880, s3;
	s28 =	sor.u32 s12, s23;
	v8 =	vld [tilespmem:s25+$0x0]  }
0x197: {  	s4 =	sor.u32 s12, s26;
	s0 =	sadd.s32 $0x6800, s3;
	v9 =	vld [tilespmem:s28+$0x0]  }
0x198: {  	[dreg:$0xe] =	wrdreg s26;
	s7 =	sor.u32 s12, s0;
	s26 =	sadd.s32 $0x5880, s3;
	v10 =	vld [tilespmem:s4+$0x0]  }
0x199: {  	s5 =	sadd.s32 $0x6780, s3;
	[dreg:$0xd] =	wrdreg s23;
	s23 =	sor.u32 s12, s26;
	v11 =	vld [tilespmem:s7+$0x0]  }
0x19a: {  	s29 =	sadd.s32 $0x5900, s3;
	s14 =	sor.u32 s12, s5;
	v18 =	vld [tilespmem:s23+$0x0]  }
0x19b: {  	s1 =	sadd.s32 $0x5800, s3;
	s22 =	sor.u32 s12, s29;
	v12 =	vld [tilespmem:s14+$0x0]  }
0x19c: {  	s2 =	sadd.s32 $0x5780, s3;
	s28 =	sor.u32 s12, s1;
	v17 =	vld [tilespmem:s22+$0x0]  }
0x19d: {  	s10 =	sadd.s32 $0x7780, s3;
	s4 =	sor.u32 s12, s2;
	v19 =	vld [tilespmem:s28+$0x0]  }
0x19e: {  	s11 =	sadd.s32 $0x7700, s3;
	s15 =	sor.u32 s12, s10;
	v20 =	vld [tilespmem:s4+$0x0]  }
0x19f: {  	s13 =	sadd.s32 $0x7680, s3;
	s16 =	sor.u32 s12, s11;
	v4 =	vld [tilespmem:s15+$0x0]  }
0x1a0: {  	[dreg:$0xc] =	wrdreg s21;
	s25 =	sadd.s32 $0x5980, s3;
	s20 =	sor.u32 s12, s13;
	v5 =	vld [tilespmem:s16+$0x0]  }
0x1a1: {  	[dreg:$0x10] =	wrdreg s5;
	s5 =	sadd.s32 $0x5700, s3;
	s21 =	sor.u32 s12, s25;
	v6 =	vld [tilespmem:s20+$0x0]  }
0x1a2: {  	s30 =	sadd.s32 $0x5680, s3;
	s7 =	sor.u32 s12, s5;
	v16 =	vld [tilespmem:s21+$0x0]  }
0x1a3: {  	s9 =	sadd.s32 $0x6700, s3;
	s14 =	sor.u32 s12, s30;
	v21 =	vld [tilespmem:s7+$0x0]  }
0x1a4: {  	s4 =	sadd.s32 $0x4880, s3;
	s16 =	sor.u32 s12, s9;
	v22 =	vld [tilespmem:s14+$0x0]  }
0x1a5: {  	[dreg:$0xb] =	wrdreg s17;
	s15 =	sadd.s32 $0x6680, s3;
	s22 =	sor.u32 s12, s4;
	v13 =	vld [tilespmem:s16+$0x0]  }
0x1a6: {  	[dreg:$0x11] =	wrdreg s9;
	s9 =	sadd.s32 $0x6600, s3;
	s17 =	sor.u32 s12, s15;
	v26 =	vld [tilespmem:s22+$0x0]  }
0x1a7: {  	s23 =	sadd.s32 $0x5600, s3;
	s20 =	sor.u32 s12, s9;
	v14 =	vld [tilespmem:s17+$0x0]  }
0x1a8: {  	s21 =	sadd.s32 $0x4980, s3;
	[dreg:$0x12] =	wrdreg s15;
	s15 =	sor.u32 s12, s23;
	v15 =	vld [tilespmem:s20+$0x0]  }
0x1a9: {  	s16 =	sor.u32 s12, s21;
	v23 =	vld [tilespmem:s15+$0x0];
	s17 =	sadd.s32 $0x4900, s3  }
0x1aa: {  	v24 =	vld [tilespmem:s16+$0x0];
	s15 =	sadd.s32 $0x4800, s3;
	s20 =	sor.u32 s12, s17  }
0x1ab: {  	s16 =	sadd.s32 $0x4780, s3;
	s28 =	sor.u32 s12, s15;
	v25 =	vld [tilespmem:s20+$0x0]  }
0x1ac: {  	s22 =	sadd.s32 $0x4680, s3;
	s7 =	sor.u32 s12, s16;
	v27 =	vld [tilespmem:s28+$0x0]  }
0x1ad: {  	s20 =	sadd.s32 $0x4700, s3;
	v28 =	vld [tilespmem:s7+$0x0];
	s28 =	sor.u32 s12, s22  }
0x1ae: {  	[dreg:$0xf] =	wrdreg s0;
	s14 =	sor.u32 s12, s20;
	v31 =	vld [tilespmem:s28+$0x0]  }
0x1af: {  	s0 =	sand.u32 $0x180, s18;
	s7 =	sor.u32 $0x10, s12;
	s28 =	simm.s32 $0x8A00;
	v29 =	vld [tilespmem:s14+$0x0]  }
0x1b0: {  	s14 =	sor.u32 s7, s0;
	s0 =	sadd.s32 $0x4600, s3;
	s3 =	simm.s32 $0x8A00;
	v32 =	vld [tilespmem:s28+$0x0]  }
0x1b1: {  	v30 =	vld [tilespmem:s14+$0x8A00];
	[dreg:$0xa] =	wrdreg s3;
	s31 =	sor.u32 s12, s0;
	s12 =	simm.s32 $0x20  }
.LBB2_4:
0x1b2: {  	v33 =	vld [tilespmem:s31+$0x0]  }
0x1b3: {  	v34 =	vld [tilespmem:$0x8800];
	s0 =	sor.u32 s7, s0  }
0x1b4: {  	v35 =	vld [tilespmem:s0+$0x0]  }
0x1b5: {  	v36 =	vld [tilespmem:$0x8810];
	s28 =	sor.u32 s7, s22  }
0x1b6: {  	v37 =	vld [tilespmem:s28+$0x0]  }
0x1b7: {  	v38 =	vld [tilespmem:$0x8820];
	s3 =	sor.u32 s7, s20  }
0x1b8: {  	v39 =	vld [tilespmem:s3+$0x0];
	v33 =	vmul.f32 v33, v34  }
0x1b9: {  	v54 =	vld [tilespmem:$0x8830];
	s16 =	sor.u32 s7, s16;
	v34 =	vmul.f32 v35, v34  }
0x1ba: {  	v55 =	vld [tilespmem:s16+$0x0];
	v31 =	vmul.f32 v31, v36;
	v32 =	vadd.f32 v33, v32  }
0x1bb: {  	v57 =	vld [tilespmem:$0x8840];
	s20 =	sor.u32 s7, s15;
	v56 =	vmul.f32 v37, v36;
	v30 =	vadd.f32 v34, v30  }
0x1bc: {  	v58 =	vld [tilespmem:s20+$0x0];
	v29 =	vmul.f32 v29, v38;
	v31 =	vadd.f32 v31, v32  }
0x1bd: {  	v60 =	vld [tilespmem:$0x8850];
	s22 =	sor.u32 s7, s4;
	v59 =	vmul.f32 v39, v38;
	v30 =	vadd.f32 v56, v30  }
0x1be: {  	v28 =	vmul.f32 v28, v54;
	v29 =	vadd.f32 v29, v31;
	v31 =	vld [tilespmem:s22+$0x0]  }
0x1bf: {  	v61 =	vld [tilespmem:$0x8860];
	s28 =	sor.u32 s7, s17;
	v33 =	vmul.f32 v55, v54;
	v30 =	vadd.f32 v59, v30  }
0x1c0: {  	v27 =	vmul.f32 v27, v57;
	v28 =	vadd.f32 v28, v29;
	v29 =	vld [tilespmem:s28+$0x0]  }
0x1c1: {  	v62 =	vld [tilespmem:$0x8870];
	s3 =	sor.u32 s7, s21;
	v32 =	vmul.f32 v58, v57;
	v30 =	vadd.f32 v33, v30  }
0x1c2: {  	v26 =	vmul.f32 v26, v60;
	v27 =	vadd.f32 v27, v28;
	v28 =	vld [tilespmem:s3+$0x0]  }
0x1c3: {  	v63 =	vld [tilespmem:$0x8880];
	s4 =	sor.u32 s7, s23;
	v30 =	vadd.f32 v32, v30;
	v31 =	vmul.f32 v31, v60  }
0x1c4: {  	v25 =	vmul.f32 v25, v61;
	v26 =	vadd.f32 v26, v27;
	v27 =	vld [tilespmem:s4+$0x0]  }
0x1c5: {  	s15 =	sor.u32 s7, s30;
	v30 =	vadd.f32 v31, v30;
	v29 =	vmul.f32 v29, v61;
	v31 =	vld [tilespmem:$0x8890]  }
0x1c6: {  	v24 =	vmul.f32 v24, v62;
	v25 =	vadd.f32 v25, v26;
	v26 =	vld [tilespmem:s15+$0x0]  }
0x1c7: {  	s16 =	sor.u32 s7, s5;
	v29 =	vadd.f32 v29, v30;
	v28 =	vmul.f32 v28, v62;
	v30 =	vld [tilespmem:$0x88A0]  }
0x1c8: {  	v23 =	vmul.f32 v23, v63;
	v24 =	vadd.f32 v24, v25;
	v25 =	vld [tilespmem:s16+$0x0]  }
0x1c9: {  	s17 =	sor.u32 s7, s2;
	v28 =	vadd.f32 v28, v29;
	v27 =	vmul.f32 v27, v63;
	v29 =	vld [tilespmem:$0x88B0]  }
0x1ca: {  	v23 =	vadd.f32 v23, v24;
	v22 =	vmul.f32 v22, v31;
	v24 =	vld [tilespmem:s17+$0x0]  }
0x1cb: {  	s20 =	sor.u32 s7, s1;
	v27 =	vadd.f32 v27, v28;
	v26 =	vmul.f32 v26, v31;
	v28 =	vld [tilespmem:$0x88C0]  }
0x1cc: {  	v22 =	vadd.f32 v22, v23;
	v21 =	vmul.f32 v21, v30;
	v23 =	vld [tilespmem:s20+$0x0]  }
0x1cd: {  	s21 =	sor.u32 s7, s26;
	v26 =	vadd.f32 v26, v27;
	v25 =	vmul.f32 v25, v30;
	v27 =	vld [tilespmem:$0x88D0]  }
0x1ce: {  	v21 =	vadd.f32 v21, v22;
	v20 =	vmul.f32 v20, v29;
	v22 =	vld [tilespmem:s21+$0x0]  }
0x1cf: {  	s22 =	sor.u32 s7, s29;
	v25 =	vadd.f32 v25, v26;
	v24 =	vmul.f32 v24, v29;
	v26 =	vld [tilespmem:$0x88E0]  }
0x1d0: {  	v20 =	vadd.f32 v20, v21;
	v19 =	vmul.f32 v19, v28;
	v21 =	vld [tilespmem:s22+$0x0]  }
0x1d1: {  	s23 =	sor.u32 s7, s25;
	v24 =	vadd.f32 v24, v25;
	v23 =	vmul.f32 v23, v28;
	v25 =	vld [tilespmem:$0x88F0]  }
0x1d2: {  	v19 =	vadd.f32 v19, v20;
	v18 =	vmul.f32 v18, v27;
	v20 =	vld [tilespmem:s23+$0x0]  }
0x1d3: {  	s25 =	sor.u32 s7, s9;
	v23 =	vadd.f32 v23, v24;
	v22 =	vmul.f32 v22, v27;
	v24 =	vld [tilespmem:$0x8900]  }
0x1d4: {  	s26 =	rddreg [dreg:$0x12];
	v18 =	vadd.f32 v18, v19;
	v17 =	vmul.f32 v17, v26;
	v19 =	vld [tilespmem:s25+$0x0]  }
0x1d5: {  	s0 =	sor.u32 s7, s26;
	v22 =	vadd.f32 v22, v23;
	v21 =	vmul.f32 v21, v26;
	v23 =	vld [tilespmem:$0x8910]  }
0x1d6: {  	s28 =	rddreg [dreg:$0x11];
	v17 =	vadd.f32 v17, v18;
	v16 =	vmul.f32 v16, v25;
	v18 =	vld [tilespmem:s0+$0x0]  }
0x1d7: {  	s0 =	sor.u32 s7, s28;
	v21 =	vadd.f32 v21, v22;
	v20 =	vmul.f32 v20, v25;
	v22 =	vld [tilespmem:$0x8920]  }
0x1d8: {  	s1 =	rddreg [dreg:$0x10];
	v16 =	vadd.f32 v16, v17;
	v15 =	vmul.f32 v15, v24;
	v17 =	vld [tilespmem:s0+$0x0]  }
0x1d9: {  	s0 =	sor.u32 s7, s1;
	v20 =	vadd.f32 v20, v21;
	v19 =	vmul.f32 v19, v24;
	v21 =	vld [tilespmem:$0x8930]  }
0x1da: {  	s2 =	rddreg [dreg:$0xf];
	v15 =	vadd.f32 v15, v16;
	v14 =	vmul.f32 v14, v23;
	v16 =	vld [tilespmem:s0+$0x0]  }
0x1db: {  	s0 =	sor.u32 s7, s2;
	v19 =	vadd.f32 v19, v20;
	v18 =	vmul.f32 v18, v23;
	v20 =	vld [tilespmem:$0x8940]  }
0x1dc: {  	s3 =	rddreg [dreg:$0xe];
	v14 =	vadd.f32 v14, v15;
	v13 =	vmul.f32 v13, v22;
	v15 =	vld [tilespmem:s0+$0x0]  }
0x1dd: {  	s0 =	sor.u32 s7, s3;
	v18 =	vadd.f32 v18, v19;
	v17 =	vmul.f32 v17, v22;
	v19 =	vld [tilespmem:$0x8950]  }
0x1de: {  	s4 =	rddreg [dreg:$0xd];
	v13 =	vadd.f32 v13, v14;
	v12 =	vmul.f32 v12, v21;
	v14 =	vld [tilespmem:s0+$0x0]  }
0x1df: {  	s0 =	sor.u32 s7, s4;
	v17 =	vadd.f32 v17, v18;
	v16 =	vmul.f32 v16, v21;
	v18 =	vld [tilespmem:$0x8960]  }
0x1e0: {  	s5 =	rddreg [dreg:$0xc];
	v12 =	vadd.f32 v12, v13;
	v11 =	vmul.f32 v11, v20;
	v13 =	vld [tilespmem:s0+$0x0]  }
0x1e1: {  	s0 =	sor.u32 s7, s5;
	v16 =	vadd.f32 v16, v17;
	v15 =	vmul.f32 v15, v20;
	v17 =	vld [tilespmem:$0x8970]  }
0x1e2: {  	s9 =	rddreg [dreg:$0xb];
	v11 =	vadd.f32 v11, v12;
	v10 =	vmul.f32 v10, v19;
	v12 =	vld [tilespmem:s0+$0x0]  }
0x1e3: {  	s0 =	sor.u32 s7, s9;
	v15 =	vadd.f32 v15, v16;
	v14 =	vmul.f32 v14, v19;
	v16 =	vld [tilespmem:$0x8980]  }
0x1e4: {  	v10 =	vadd.f32 v10, v11;
	v9 =	vmul.f32 v9, v18;
	v11 =	vld [tilespmem:s0+$0x0]  }
0x1e5: {  	s15 =	sor.u32 s7, s13;
	v14 =	vadd.f32 v14, v15;
	v13 =	vmul.f32 v13, v18;
	v15 =	vld [tilespmem:$0x8990]  }
0x1e6: {  	v9 =	vadd.f32 v9, v10;
	v8 =	vmul.f32 v8, v17;
	v10 =	vld [tilespmem:s15+$0x0]  }
0x1e7: {  	s16 =	sor.u32 s7, s11;
	v13 =	vadd.f32 v13, v14;
	v12 =	vmul.f32 v12, v17;
	v14 =	vld [tilespmem:$0x89A0]  }
0x1e8: {  	v8 =	vadd.f32 v8, v9;
	v7 =	vmul.f32 v7, v16;
	v9 =	vld [tilespmem:s16+$0x0]  }
0x1e9: {  	s17 =	sor.u32 s7, s10;
	v12 =	vadd.f32 v12, v13;
	v11 =	vmul.f32 v11, v16;
	v13 =	vld [tilespmem:$0x89B0]  }
0x1ea: {  	v7 =	vadd.f32 v7, v8;
	v6 =	vmul.f32 v6, v15;
	v8 =	vld [tilespmem:s17+$0x0]  }
0x1eb: {  	s20 =	sor.u32 s7, s8;
	v11 =	vadd.f32 v11, v12;
	v10 =	vmul.f32 v10, v15;
	v12 =	vld [tilespmem:$0x89C0]  }
0x1ec: {  	v6 =	vadd.f32 v6, v7;
	v5 =	vmul.f32 v5, v14;
	v7 =	vld [tilespmem:s20+$0x0]  }
0x1ed: {  	s21 =	sor.u32 s7, s6;
	v10 =	vadd.f32 v10, v11;
	v9 =	vmul.f32 v9, v14;
	v11 =	vld [tilespmem:$0x89D0]  }
0x1ee: {  	v5 =	vadd.f32 v5, v6;
	v4 =	vmul.f32 v4, v13;
	v6 =	vld [tilespmem:s21+$0x0]  }
0x1ef: {  	s22 =	sor.u32 s7, s19;
	v9 =	vadd.f32 v9, v10;
	v8 =	vmul.f32 v8, v13;
	v10 =	vld [tilespmem:$0x89E0]  }
0x1f0: {  	v4 =	vadd.f32 v4, v5;
	v3 =	vmul.f32 v3, v12;
	v5 =	vld [tilespmem:s22+$0x0]  }
0x1f1: {  	s23 =	sor.u32 s7, s24;
	v8 =	vadd.f32 v8, v9;
	v7 =	vmul.f32 v7, v12;
	v9 =	vld [tilespmem:$0x89F0]  }
0x1f2: {  	v3 =	vadd.f32 v3, v4;
	v2 =	vmul.f32 v2, v11;
	v4 =	vld [tilespmem:s23+$0x0]  }
0x1f3: {  	v7 =	vadd.f32 v7, v8;
	v6 =	vmul.f32 v6, v11  }
0x1f4: {  	v2 =	vadd.f32 v2, v3;
	v1 =	vmul.f32 v1, v10  }
0x1f5: {  	v3 =	vadd.f32 v6, v7;
	v5 =	vmul.f32 v5, v10  }
0x1f6: {  	v1 =	vadd.f32 v1, v2;
	v0 =	vmul.f32 v0, v9  }
0x1f7: {  	v2 =	vadd.f32 v5, v3;
	v3 =	vmul.f32 v4, v9  }
0x1f8: {  	s18 =	sadd.s32 $0x100, s18;
	v0 =	vadd.f32 v0, v1  }
0x1f9: {  	s28 =	rddreg [dreg:$0xa];
	s0 =	sand.u32 $0xC00, s18;
	v1 =	vadd.f32 v3, v2  }
0x1fa: {  	s31 =	sand.u32 $0x60, s12;
	s3 =	sadd.s32 $0x7980, s0;
	[tilespmem:s28+$0x0] =	vst v0  }
0x1fb: {  	s19 =	sadd.s32 $0x7900, s0;
	s24 =	sor.u32 s31, s3;
	[tilespmem:s14+$0x8A00] =	vst v1  }
0x1fc: {  	s6 =	sadd.s32 $0x7880, s0;
	s25 =	sor.u32 s31, s19;
	v0 =	vld [tilespmem:s24+$0x0]  }
0x1fd: {  	s8 =	sadd.s32 $0x7800, s0;
	s26 =	sor.u32 s31, s6;
	v1 =	vld [tilespmem:s25+$0x0]  }
0x1fe: {  	s10 =	sadd.s32 $0x7780, s0;
	s4 =	sor.u32 s31, s8;
	v2 =	vld [tilespmem:s26+$0x0]  }
0x1ff: {  	s11 =	sadd.s32 $0x7700, s0;
	s5 =	sor.u32 s31, s10;
	v3 =	vld [tilespmem:s4+$0x0]  }
0x200: {  	s13 =	sadd.s32 $0x7680, s0;
	s7 =	sor.u32 s31, s11;
	v4 =	vld [tilespmem:s5+$0x0]  }
0x201: {  	s9 =	sadd.s32 $0x7600, s0;
	s14 =	sor.u32 s31, s13;
	v5 =	vld [tilespmem:s7+$0x0]  }
0x202: {  	s15 =	sadd.s32 $0x6980, s0;
	s16 =	sor.u32 s31, s9;
	v6 =	vld [tilespmem:s14+$0x0]  }
0x203: {  	s17 =	sadd.s32 $0x6900, s0;
	s20 =	sor.u32 s31, s15;
	v7 =	vld [tilespmem:s16+$0x0]  }
0x204: {  	s22 =	sor.u32 s31, s17;
	v8 =	vld [tilespmem:s20+$0x0]  }
0x205: {  	s21 =	sadd.s32 $0x6880, s0;
	s28 =	sadd.s32 $0x20, s28;
	v9 =	vld [tilespmem:s22+$0x0]  }
0x206: {  	s23 =	sadd.s32 $0x6800, s0;
	s24 =	sor.u32 s31, s21;
	v32 =	vld [tilespmem:s28+$0x0]  }
0x207: {  	s1 =	sadd.s32 $0x6700, s0;
	s26 =	sor.u32 s31, s23;
	v10 =	vld [tilespmem:s24+$0x0]  }
0x208: {  	[dreg:$0xb] =	wrdreg s9;
	s9 =	sadd.s32 $0x6600, s0;
	s14 =	sor.u32 s31, s1;
	v11 =	vld [tilespmem:s26+$0x0]  }
0x209: {  	s29 =	sadd.s32 $0x5900, s0;
	s16 =	sor.u32 s31, s9;
	v13 =	vld [tilespmem:s14+$0x0]  }
0x20a: {  	s2 =	sadd.s32 $0x5780, s0;
	s20 =	sor.u32 s31, s29;
	v15 =	vld [tilespmem:s16+$0x0]  }
0x20b: {  	[dreg:$0xf] =	wrdreg s23;
	s25 =	sadd.s32 $0x6780, s0;
	s23 =	sor.u32 s31, s2;
	v17 =	vld [tilespmem:s20+$0x0]  }
0x20c: {  	[dreg:$0x11] =	wrdreg s1;
	s7 =	sadd.s32 $0x6680, s0;
	s5 =	sor.u32 s31, s25;
	v20 =	vld [tilespmem:s23+$0x0]  }
0x20d: {  	[dreg:$0xc] =	wrdreg s15;
	s1 =	sadd.s32 $0x5800, s0;
	s15 =	sor.u32 s31, s7;
	v12 =	vld [tilespmem:s5+$0x0]  }
0x20e: {  	s30 =	sadd.s32 $0x5680, s0;
	s22 =	sor.u32 s31, s1;
	v14 =	vld [tilespmem:s15+$0x0]  }
0x20f: {  	[dreg:$0x10] =	wrdreg s25;
	s25 =	sadd.s32 $0x5980, s0;
	s14 =	sor.u32 s31, s30;
	v19 =	vld [tilespmem:s22+$0x0]  }
0x210: {  	[dreg:$0xd] =	wrdreg s17;
	s26 =	sadd.s32 $0x5880, s0;
	s17 =	sor.u32 s31, s25;
	v22 =	vld [tilespmem:s14+$0x0]  }
0x211: {  	[dreg:$0xe] =	wrdreg s21;
	s23 =	sadd.s32 $0x5600, s0;
	s21 =	sor.u32 s31, s26;
	v16 =	vld [tilespmem:s17+$0x0]  }
0x212: {  	s4 =	sadd.s32 $0x4880, s0;
	s15 =	sor.u32 s31, s23;
	v18 =	vld [tilespmem:s21+$0x0]  }
0x213: {  	s5 =	sadd.s32 $0x5700, s0;
	s22 =	sor.u32 s31, s4;
	v23 =	vld [tilespmem:s15+$0x0]  }
0x214: {  	s24 =	sor.u32 s31, s5;
	s21 =	sadd.s32 $0x4980, s0;
	v26 =	vld [tilespmem:s22+$0x0]  }
0x215: {  	s17 =	sadd.s32 $0x4900, s0;
	v21 =	vld [tilespmem:s24+$0x0];
	s16 =	sor.u32 s31, s21  }
0x216: {  	p0 =	sne.s32 s12, $0x1E0;
	s15 =	sadd.s32 $0x4800, s0;
	s20 =	sor.u32 s31, s17;
	v24 =	vld [tilespmem:s16+$0x0]  }
0x217: {  	[dreg:$0x12] =	wrdreg s7;
	s24 =	sor.u32 s31, s15;
	v25 =	vld [tilespmem:s20+$0x0];
	s16 =	sadd.s32 $0x4780, s0  }
.Ltmp1:
0x218: {  	s20 =	sadd.s32 $0x4700, s0;
	v27 =	vld [tilespmem:s24+$0x0];
	s14 =	sor.u32 s31, s16;
	(pc) =	sbr.rel @p0 .LBB2_4-.Ltmp1, $4  }
0x219: {  	s7 =	sor.u32 $0x10, s31;
	s22 =	sand.u32 $0x180, s12;
	s24 =	sor.u32 s31, s20;
	v28 =	vld [tilespmem:s14+$0x0]  }
0x21a: {  	s14 =	sor.u32 s7, s22;
	v29 =	vld [tilespmem:s24+$0x0];
	s22 =	sadd.s32 $0x4680, s0  }
0x21b: {  	[dreg:$0xa] =	wrdreg s28;
	s0 =	sadd.s32 $0x4600, s0;
	v30 =	vld [tilespmem:s14+$0x8A00];
	s28 =	sor.u32 s31, s22  }
0x21c: {  	s12 =	sadd.s32 $0x20, s12;
	s24 =	smov.u32 s3;
	s31 =	sor.u32 s31, s0;
	v31 =	vld [tilespmem:s28+$0x0]  }
0x21d: {  	v33 =	vld [tilespmem:s31+$0x0]  }
0x21e: {  	v34 =	vld [tilespmem:$0x8800];
	s0 =	sor.u32 s7, s0  }
0x21f: {  	v35 =	vld [tilespmem:s0+$0x0]  }
0x220: {  	v36 =	vld [tilespmem:$0x8810];
	s31 =	sor.u32 s7, s22  }
0x221: {  	v37 =	vld [tilespmem:s31+$0x0]  }
0x222: {  	v38 =	vld [tilespmem:$0x8820];
	s3 =	sor.u32 s7, s20  }
0x223: {  	v39 =	vld [tilespmem:s3+$0x0];
	v33 =	vmul.f32 v33, v34  }
0x224: {  	v53 =	vld [tilespmem:$0x8830];
	s12 =	sor.u32 s7, s16;
	v34 =	vmul.f32 v35, v34  }
0x225: {  	v40 =	vld [tilespmem:s12+$0x0];
	v31 =	vmul.f32 v31, v36;
	v32 =	vadd.f32 v33, v32  }
0x226: {  	v55 =	vld [tilespmem:$0x8840];
	s16 =	sor.u32 s7, s15;
	v54 =	vmul.f32 v37, v36;
	v30 =	vadd.f32 v34, v30  }
0x227: {  	v56 =	vld [tilespmem:s16+$0x0];
	v29 =	vmul.f32 v29, v38;
	v31 =	vadd.f32 v31, v32  }
0x228: {  	v58 =	vld [tilespmem:$0x8850];
	s18 =	sor.u32 s7, s4;
	v57 =	vmul.f32 v39, v38;
	v30 =	vadd.f32 v54, v30  }
0x229: {  	v59 =	vld [tilespmem:s18+$0x0];
	v28 =	vmul.f32 v28, v53;
	v29 =	vadd.f32 v29, v31  }
0x22a: {  	v61 =	vld [tilespmem:$0x8860];
	s20 =	sor.u32 s7, s17;
	v60 =	vmul.f32 v40, v53;
	v30 =	vadd.f32 v57, v30  }
0x22b: {  	v62 =	vld [tilespmem:s20+$0x0];
	v27 =	vmul.f32 v27, v55;
	v28 =	vadd.f32 v28, v29  }
0x22c: {  	s21 =	sor.u32 s7, s21;
	v36 =	vmul.f32 v56, v55;
	v38 =	vld [tilespmem:$0x8870];
	v63 =	vadd.f32 v60, v30  }
0x22d: {  	v26 =	vmul.f32 v26, v58;
	v39 =	vld [tilespmem:s21+$0x0];
	v27 =	vadd.f32 v27, v28  }
0x22e: {  	v42 =	vld [tilespmem:$0x8880];
	s22 =	sor.u32 s7, s23;
	v41 =	vmul.f32 v59, v58;
	v40 =	vadd.f32 v36, v63  }
0x22f: {  	v43 =	vld [tilespmem:s22+$0x0];
	v25 =	vmul.f32 v25, v61;
	v26 =	vadd.f32 v26, v27  }
0x230: {  	v46 =	vld [tilespmem:$0x8890];
	s23 =	sor.u32 s7, s30;
	v45 =	vmul.f32 v62, v61;
	v44 =	vadd.f32 v41, v40  }
0x231: {  	v47 =	vld [tilespmem:s23+$0x0];
	v24 =	vmul.f32 v24, v38;
	v25 =	vadd.f32 v25, v26  }
0x232: {  	v50 =	vld [tilespmem:$0x88A0];
	s28 =	sor.u32 s7, s5;
	v49 =	vmul.f32 v39, v38;
	v48 =	vadd.f32 v45, v44  }
0x233: {  	v51 =	vld [tilespmem:s28+$0x0];
	v23 =	vmul.f32 v23, v42;
	v24 =	vadd.f32 v24, v25  }
0x234: {  	s30 =	sor.u32 s7, s2;
	v53 =	vmul.f32 v43, v42;
	v54 =	vld [tilespmem:$0x88B0];
	v52 =	vadd.f32 v49, v48  }
0x235: {  	v22 =	vmul.f32 v22, v46;
	v55 =	vld [tilespmem:s30+$0x0];
	v23 =	vadd.f32 v23, v24  }
0x236: {  	s31 =	sor.u32 s7, s1;
	v58 =	vld [tilespmem:$0x88C0];
	v57 =	vmul.f32 v47, v46;
	v56 =	vadd.f32 v53, v52  }
0x237: {  	v21 =	vmul.f32 v21, v50;
	v59 =	vld [tilespmem:s31+$0x0];
	v22 =	vadd.f32 v22, v23  }
0x238: {  	s1 =	sor.u32 s7, s26;
	v61 =	vmul.f32 v51, v50;
	v62 =	vld [tilespmem:$0x88D0];
	v60 =	vadd.f32 v57, v56  }
0x239: {  	v20 =	vmul.f32 v20, v54;
	v63 =	vld [tilespmem:s1+$0x0];
	v21 =	vadd.f32 v21, v22  }
0x23a: {  	s2 =	sor.u32 s7, s29;
	v33 =	vld [tilespmem:$0x88E0];
	v32 =	vmul.f32 v55, v54;
	v31 =	vadd.f32 v61, v60  }
0x23b: {  	v34 =	vld [tilespmem:s2+$0x0];
	v19 =	vmul.f32 v19, v58;
	v20 =	vadd.f32 v20, v21  }
0x23c: {  	s3 =	sor.u32 s7, s25;
	v37 =	vld [tilespmem:$0x88F0];
	v36 =	vmul.f32 v59, v58;
	v35 =	vadd.f32 v32, v31  }
0x23d: {  	v38 =	vld [tilespmem:s3+$0x0];
	v18 =	vmul.f32 v18, v62;
	v19 =	vadd.f32 v19, v20  }
0x23e: {  	s4 =	sor.u32 s7, s9;
	v41 =	vld [tilespmem:$0x8900];
	v40 =	vmul.f32 v63, v62;
	v39 =	vadd.f32 v36, v35  }
0x23f: {  	s5 =	rddreg [dreg:$0x12];
	v42 =	vld [tilespmem:s4+$0x0];
	v17 =	vmul.f32 v17, v33;
	v18 =	vadd.f32 v18, v19  }
0x240: {  	s0 =	sor.u32 s7, s5;
	v44 =	vmul.f32 v34, v33;
	v45 =	vld [tilespmem:$0x8910];
	v43 =	vadd.f32 v40, v39  }
0x241: {  	s9 =	rddreg [dreg:$0x11];
	v16 =	vmul.f32 v16, v37;
	v46 =	vld [tilespmem:s0+$0x0];
	v17 =	vadd.f32 v17, v18  }
0x242: {  	s0 =	sor.u32 s7, s9;
	v48 =	vmul.f32 v38, v37;
	v49 =	vld [tilespmem:$0x8920];
	v47 =	vadd.f32 v44, v43  }
0x243: {  	s12 =	rddreg [dreg:$0x10];
	v50 =	vld [tilespmem:s0+$0x0];
	v15 =	vmul.f32 v15, v41;
	v16 =	vadd.f32 v16, v17  }
0x244: {  	s0 =	sor.u32 s7, s12;
	v52 =	vmul.f32 v42, v41;
	v53 =	vld [tilespmem:$0x8930];
	v51 =	vadd.f32 v48, v47  }
0x245: {  	s15 =	rddreg [dreg:$0xf];
	v54 =	vld [tilespmem:s0+$0x0];
	v14 =	vmul.f32 v14, v45;
	v15 =	vadd.f32 v15, v16  }
0x246: {  	s0 =	sor.u32 s7, s15;
	v56 =	vmul.f32 v46, v45;
	v57 =	vld [tilespmem:$0x8940];
	v55 =	vadd.f32 v52, v51  }
0x247: {  	s16 =	rddreg [dreg:$0xe];
	v58 =	vld [tilespmem:s0+$0x0];
	v13 =	vmul.f32 v13, v49;
	v14 =	vadd.f32 v14, v15  }
0x248: {  	s0 =	sor.u32 s7, s16;
	v60 =	vmul.f32 v50, v49;
	v61 =	vld [tilespmem:$0x8950];
	v59 =	vadd.f32 v56, v55  }
0x249: {  	s17 =	rddreg [dreg:$0xd];
	v62 =	vld [tilespmem:s0+$0x0];
	v12 =	vmul.f32 v12, v53;
	v13 =	vadd.f32 v13, v14  }
0x24a: {  	s0 =	sor.u32 s7, s17;
	v24 =	vld [tilespmem:$0x8960];
	v23 =	vmul.f32 v54, v53;
	v63 =	vadd.f32 v60, v59  }
0x24b: {  	s18 =	rddreg [dreg:$0xc];
	v25 =	vld [tilespmem:s0+$0x0];
	v11 =	vmul.f32 v11, v57;
	v12 =	vadd.f32 v12, v13  }
0x24c: {  	v28 =	vld [tilespmem:$0x8970];
	s0 =	sor.u32 s7, s18;
	v27 =	vmul.f32 v58, v57;
	v26 =	vadd.f32 v23, v63  }
0x24d: {  	s20 =	rddreg [dreg:$0xb];
	v29 =	vld [tilespmem:s0+$0x0];
	v10 =	vmul.f32 v10, v61;
	v11 =	vadd.f32 v11, v12  }
0x24e: {  	s0 =	sor.u32 s7, s20;
	v32 =	vld [tilespmem:$0x8980];
	v31 =	vmul.f32 v62, v61;
	v30 =	vadd.f32 v27, v26  }
0x24f: {  	v33 =	vld [tilespmem:s0+$0x0];
	v9 =	vmul.f32 v9, v24;
	v10 =	vadd.f32 v10, v11  }
0x250: {  	s21 =	sor.u32 s7, s13;
	v35 =	vmul.f32 v25, v24;
	v36 =	vld [tilespmem:$0x8990];
	v34 =	vadd.f32 v31, v30  }
0x251: {  	v8 =	vmul.f32 v8, v28;
	v37 =	vld [tilespmem:s21+$0x0];
	v9 =	vadd.f32 v9, v10  }
0x252: {  	s22 =	sor.u32 s7, s11;
	v39 =	vmul.f32 v29, v28;
	v40 =	vld [tilespmem:$0x89A0];
	v38 =	vadd.f32 v35, v34  }
0x253: {  	v41 =	vld [tilespmem:s22+$0x0];
	v7 =	vmul.f32 v7, v32;
	v8 =	vadd.f32 v8, v9  }
0x254: {  	s23 =	sor.u32 s7, s10;
	v43 =	vmul.f32 v33, v32;
	v44 =	vld [tilespmem:$0x89B0];
	v42 =	vadd.f32 v39, v38  }
0x255: {  	v45 =	vld [tilespmem:s23+$0x0];
	v6 =	vmul.f32 v6, v36;
	v7 =	vadd.f32 v7, v8  }
0x256: {  	s25 =	sor.u32 s7, s8;
	v47 =	vmul.f32 v37, v36;
	v48 =	vld [tilespmem:$0x89C0];
	v46 =	vadd.f32 v43, v42  }
0x257: {  	v49 =	vld [tilespmem:s25+$0x0];
	v5 =	vmul.f32 v5, v40;
	v6 =	vadd.f32 v6, v7  }
0x258: {  	s26 =	sor.u32 s7, s6;
	v51 =	vmul.f32 v41, v40;
	v52 =	vld [tilespmem:$0x89D0];
	v50 =	vadd.f32 v47, v46  }
0x259: {  	v53 =	vld [tilespmem:s26+$0x0];
	v4 =	vmul.f32 v4, v44;
	v5 =	vadd.f32 v5, v6  }
0x25a: {  	s28 =	sor.u32 s7, s19;
	v55 =	vmul.f32 v45, v44;
	v56 =	vld [tilespmem:$0x89E0];
	v54 =	vadd.f32 v51, v50  }
0x25b: {  	v57 =	vld [tilespmem:s28+$0x0];
	v3 =	vmul.f32 v3, v48;
	v4 =	vadd.f32 v4, v5  }
0x25c: {  	s29 =	sor.u32 s7, s24;
	v59 =	vmul.f32 v49, v48;
	v60 =	vld [tilespmem:$0x89F0];
	v58 =	vadd.f32 v55, v54  }
0x25d: {  	v61 =	vld [tilespmem:s29+$0x0];
	v2 =	vmul.f32 v2, v52;
	v3 =	vadd.f32 v3, v4  }
0x25e: {  	v62 =	vmul.f32 v53, v52;
	v5 =	vadd.f32 v59, v58  }
0x25f: {  	v1 =	vmul.f32 v1, v56;
	v2 =	vadd.f32 v2, v3  }
0x260: {  	v63 =	vmul.f32 v57, v56;
	v3 =	vadd.f32 v62, v5  }
0x261: {  	v0 =	vmul.f32 v0, v60;
	v1 =	vadd.f32 v1, v2  }
0x262: {  	v2 =	vadd.f32 v63, v3;
	v3 =	vmul.f32 v61, v60  }
0x263: {  	v0 =	vadd.f32 v0, v1  }
0x264: {  	s30 =	rddreg [dreg:$0xa];
	v1 =	vadd.f32 v3, v2  }
0x265: {  	[tilespmem:s30+$0x0] =	vst v0  }
0x266: {  	s31 =	simm.s32 $0x3;
	[tilespmem:s14+$0x8A00] =	vst v1  }
0x267: {  	_ =	swait.ge [sflag:s31], $0x200  }
0x268: {  	[sflag:s31] =	ssyncset.done $0x0  }
0x269: {  	[sflag:s31] =	ssyncadd.s32 $0xFFFFFE00  }
0x26a: {  	_ =	swait.ge [sflag:s31], $0x200  }
0x26b: {  	[sflag:s31] =	ssyncset.done $0x0  }
0x26c: {  	s0 =	simm.s32 $0x0;
	[sflag:s31] =	ssyncadd.s32 $0xFFFFFE00  }
0x26d: {  	v0 =	vld [tilespmem:s0+$0x400];
	_ =	sdelay $0x2  }
0x26e: {  	v2 =	vld [tilespmem:s0+$0x8C00]  }
0x26f: {  	v3 =	vld [tilespmem:s0+$0x8A00];
	_ =	sdelay $0x1  }
0x270: {  	v1 =	vld [tilespmem:s0+$0x8E00]  }
0x271: {  	s3 =	simm.s32 $0x9000  }
0x272: {  	v0 =	vld.idx.msk [tilespmem:v0+s3+$0x0], $0xffff  }
0x273: {  	v2 =	vadd.f32 v2, v3  }
0x274: {  	s2 =	simm.s32 $0x80;
	s1 =	simm.s32 $0x10  }
.LBB2_6:
0x275: {  	p0 =	sne.s32 s2, $0x7C0;
	v3 =	vld [tilespmem:s1+$0x400];
	v1 =	vadd.f32 v1, v2;
	_ =	sdelay $0x1  }
0x276: {  	v0 =	vadd.f32 v0, v1;
	_ =	sdelay $0x1  }
0x277: {  	v2 =	vld [tilespmem:s1+$0x8C00];
	[tilespmem:s0+$0x8A00] =	vst v0;
	s0 =	smov.u32 s1  }
0x278: {  	v4 =	vld [tilespmem:s0+$0x8A00];
	_ =	sdelay $0x1  }
.Ltmp2:
0x279: {  	v1 =	vld [tilespmem:s0+$0x8E00];
	(pc) =	sbr.rel @p0 .LBB2_6-.Ltmp2, $3  }
0x27a: {  	v0 =	vld.idx.msk [tilespmem:v3+s3+$0x0], $0xffff;
	_ =	sdelay $0x1  }
0x27b: {  	v2 =	vadd.f32 v2, v4  }
0x27c: {  	s1 =	sshra.s32 s2, $0x2;
	s2 =	sadd.s32 $0x40, s2  }
0x27d: {  	v1 =	vadd.f32 v1, v2  }
0x27e: {  	v62 =	vld [tilespmem:s1+$0x400]  }
0x27f: {  	v0 =	vadd.f32 v0, v1;
	_ =	sdelay $0x1  }
0x280: {  	v63 =	vld [tilespmem:s1+$0x8C00];
	[tilespmem:s0+$0x8A00] =	vst v0  }
0x281: {  	v0 =	vld [tilespmem:s1+$0x8A00];
	_ =	sdelay $0x1  }
0x282: {  	v3 =	vld [tilespmem:s1+$0x8E00];
	_ =	sdelay $0x1  }
0x283: {  	v2 =	vld.idx.msk [tilespmem:v62+s3+$0x0], $0xffff  }
0x284: {  	v0 =	vadd.f32 v63, v0;
	_ =	sdelay $0x1  }
0x285: {  	v0 =	vadd.f32 v3, v0;
	_ =	sdelay $0x1  }
0x286: {  	v0 =	vadd.f32 v2, v0  }
0x287: {  	s28 =	simm.s32 $0x0  }
0x288: {  	s26 =	rddreg [dreg:$0x1a];
	s29 =	simm.s32 $0x8A00;
	s30 =	simm.s32 $0x4;
	[tilespmem:s1+$0x8A00] =	vst v0  }
0x289: {  	[hbm4b:s26+s28] =	stream.linear.scatter [tilespmem:s29], [sflag:$0x4], $0x200, $0x38;
	[tilespmem:$0x9400] =	vst v63  }
0x28a: {  	_ =	swait.ge [sflag:s30], $0x200  }
0x28b: {  	s2 =	rddreg [dreg:$0x1c]  }
0x28c: {  	s31 =	rddreg [dreg:$0x1b];
	s2 =	sadd.s32 $0x1, s2  }
0x28d: {  	p0 =	sne.s32 s2, s31  }
.Ltmp3:
0x28e: {  	_ = 	snop;
	(pc) =	sbr.rel @p0 .LBB2_1-.Ltmp3, $3  }
0x28f: {  	_ =	sdelay $0x1  }
0x290: {  	[sflag:s30] =	ssyncset.done $0x0  }
0x291: {  	[sflag:s30] =	ssyncadd.s32 $0xFFFFFE00  }
0x292: {  	_ =	sfence.sel $0x180000  }
0x293: {  	[bflag:$0x0] =	sbarrier.arrive $0xFFFF  }
0x294: {  	_ =	strace $0x90000047  }
0x295: {  	s0 =	stileid.u32;
	[bflag:$0x2] =	sbarrier.arrive $0xFFFF  }
0x296: {  	p0 =	sne.s32 s0, $0x0;
	s0 =	rddreg [dreg:$0x9]  }
0x297: {  	s0 =	sadd.s32 @!p0 $0x100000, s0  }
0x298: {  	[sflag:s0] =	ssyncadd.tile.s32 @!p0 $0x1;
	_ =	shalt  }
.Lfunc_end2:
_tile_overlayer_lowered:
.L_overlay_start_2:
0x299: {  	(tag) =	ssettag $0x2  }
0x29a: {  	s0 =	rddreg [dreg:$0x0];
	s2 =	stileid.u32  }
0x29b: {  	s1 =	rddreg [dreg:$0x1];
	p0 =	sne.s32 s2, $0x0  }
0x29c: {  	s3 =	rddreg [dreg:$0x2];
	[bflag:$0x3] =	sbarrier.arrive $0xFFFF;
	s2 =	simm.s32 @!p0 $0x1C04  }
0x29d: {  	[timem:s3], [sflag:s2] =	dma.local @!p0 [hbm:s0], s1  }
0x29e: {  	s0 =	simm.s32 @!p0 $0x4  }
0x29f: {  	_ =	swait.ge @!p0 [sflag:s0], s1  }
0x2a0: {  	s1 =	ssub.s32 @!p0 $0x0, s1;
	[sflag:s0] =	ssyncset.done @!p0 $0x0  }
0x2a1: {  	[sflag:s0] =	ssyncadd.s32 @!p0 s1  }
0x2a2: {  	[bflag:$0x3] =	sbarrier.arrive $0xFFFF  }
0x2a3: {  	_ =	shalt  }

</sc_bundles>
